<compile_context>
chip_gen: v7x
topology: tpu7x:2x2x1
jax: 0.10.2.dev20260603
libtpu: 0.0.44.dev20260713+nightly
codegen_flags: <defaults>
</compile_context>

<pallas_src>
import functools

import jax
import jax.numpy as jnp
from jax import lax
from jax.experimental import pallas as pl
from jax.experimental.pallas import tpu as pltpu
from jax.experimental.pallas import tpu_sc as plsc

_NC = 2
_NS = 16
_NW = _NC * _NS

_T = 512
_LT = 32
_LC = 16
_N = 64
_TJ = 128
_NCK = _T // _TJ
_CHJ = 64


def _sc_gather_all(emb, targets, claim):
    B, T, LT = targets.shape
    _, LC = claim.shape
    D = emb.shape[1]
    M = B * T * LT
    jw = T // 2
    n_steps = jw // _CHJ
    cw = B * LC // _NW
    mesh = plsc.VectorSubcoreMesh(
        core_axis_name="c", subcore_axis_name="s", num_cores=_NC,
        num_subcores=_NS)

    @functools.partial(
        pl.kernel,
        mesh=mesh,
        compiler_params=pltpu.CompilerParams(use_tc_tiling_on_sc=False),
        out_type=(jax.ShapeDtypeStruct((M, D), jnp.float32),
                  jax.ShapeDtypeStruct((B * LC, D), jnp.float32)),
        scratch_types=[
            pltpu.VMEM((_CHJ, LT), jnp.int32),
            pltpu.VMEM((_CHJ * LT,), jnp.int32),
            pltpu.VMEM((_CHJ * LT,), jnp.int32),
            pltpu.VMEM((_CHJ * LT, D), jnp.float32),
            pltpu.VMEM((cw,), jnp.int32),
            pltpu.VMEM((cw, D), jnp.float32),
            pltpu.SemaphoreType.DMA,
        ],
    )
    def gather_kernel(tgt_hbm, clm_hbm, src_hbm, out_hbm, outc_hbm,
                      idx2_v, idx1_v, dst_v, rows_v, cidx_v, crows_v, sem):
        wid = lax.axis_index("s") * _NC + lax.axis_index("c")
        b0 = wid // 2
        half = wid % 2

        cbase = wid * cw
        pltpu.sync_copy(clm_hbm.at[b0, pl.ds(half * cw, cw)], cidx_v)
        pltpu.async_copy(src_hbm.at[cidx_v], crows_v, sem).wait()
        pltpu.sync_copy(crows_v, outc_hbm.at[pl.ds(cbase, cw)])

        j0 = half * jw
        lane = lax.iota(jnp.int32, 16)

        def body(i, carry):
            pltpu.sync_copy(tgt_hbm.at[b0, pl.ds(j0 + i * _CHJ, _CHJ), :],
                            idx2_v)

            def unpack(r, c2):
                j = j0 + i * _CHJ + r
                s = (b0 * (T * LT) + (j // _TJ) * (_LT * _TJ) + (j % _TJ))
                for c in range(LT // 16):
                    co = c * 16
                    idx1_v[pl.ds(r * LT + co, 16)] = idx2_v[r, pl.ds(co, 16)]
                    dst_v[pl.ds(r * LT + co, 16)] = s + (lane + co) * _TJ
                return c2

            lax.fori_loop(0, _CHJ, unpack, 0)
            pltpu.async_copy(src_hbm.at[idx1_v], rows_v, sem).wait()
            pltpu.async_copy(rows_v, out_hbm.at[dst_v], sem).wait()
            return carry

        lax.fori_loop(0, n_steps, body, 0)

    return gather_kernel(targets, claim, emb)


def _sc_gather(src, ids, chunk):
    M = ids.shape[0]
    D = src.shape[1]
    per_w = M // _NW
    n_chunks = per_w // chunk
    mesh = plsc.VectorSubcoreMesh(
        core_axis_name="c", subcore_axis_name="s", num_cores=_NC,
        num_subcores=_NS)

    @functools.partial(
        pl.kernel,
        mesh=mesh,
        compiler_params=pltpu.CompilerParams(use_tc_tiling_on_sc=False),
        out_type=jax.ShapeDtypeStruct((M, D), jnp.float32),
        scratch_types=[
            pltpu.VMEM((chunk,), jnp.int32),
            pltpu.VMEM((chunk, D), jnp.float32),
            pltpu.SemaphoreType.DMA,
        ],
    )
    def gather_kernel(ids_hbm, src_hbm, out_hbm, idx_v, rows_v, sem):
        wid = lax.axis_index("s") * _NC + lax.axis_index("c")
        base = wid * per_w

        def body(i, carry):
            off = base + i * chunk
            pltpu.sync_copy(ids_hbm.at[pl.ds(off, chunk)], idx_v)
            pltpu.async_copy(src_hbm.at[idx_v], rows_v, sem).wait()
            pltpu.sync_copy(rows_v, out_hbm.at[pl.ds(off, chunk)])
            return carry

        lax.fori_loop(0, n_chunks, body, 0)

    return gather_kernel(ids, src)


def _score_topk_kernel(t_hbm, c_hbm, o_ref, tbuf, cbuf, w_ref, ts_ref,
                       sem0, sem1):
    b = pl.program_id(0)
    base = b * (_T * _LT)
    CH = _LT * _TJ
    sems = (sem0, sem1)
    pltpu.make_async_copy(c_hbm.at[pl.ds(b * _LC, _LC), :], cbuf, sem1).start()
    pltpu.make_async_copy(t_hbm.at[pl.ds(base // 4, CH // 4), :], tbuf.at[0],
                          sem0).start()
    pltpu.make_async_copy(c_hbm.at[pl.ds(b * _LC, _LC), :], cbuf, sem1).wait()
    c = cbuf[...]
    for ck in range(_NCK):
        if ck + 1 < _NCK:
            pltpu.make_async_copy(
                t_hbm.at[pl.ds((base + (ck + 1) * CH) // 4, CH // 4), :],
                tbuf.at[(ck + 1) % 2], sems[(ck + 1) % 2]).start()
        pltpu.make_async_copy(t_hbm.at[pl.ds((base + ck * CH) // 4, CH // 4),
                                       :],
                              tbuf.at[ck % 2], sems[ck % 2]).wait()
        t = tbuf[ck % 2]
        for q in range(4):
            uq = lax.dot_general(c, t[:, q * 32:(q + 1) * 32],
                                 (((1,), (1,)), ((), ())),
                                 preferred_element_type=jnp.float32)
            w_ref[:, :, pl.ds(q * 32, 32)] = uq.reshape(_LC, _LT, 32)
        u3 = w_ref[...]
        m = jnp.max(u3, axis=1, keepdims=True)
        e = jnp.exp(u3 - m)
        den = jnp.sum(e, axis=1, keepdims=True)
        sm = e / den
        sc = jnp.max(sm, axis=0)
        ts_ref[0, pl.ds(ck * _TJ, _TJ)] = jnp.sum(sc, axis=0)

    tsc = ts_ref[0:1, :]
    tsr = jnp.transpose(tsc)
    col_i = lax.broadcasted_iota(jnp.int32, (1, _T), 1)
    row_i = lax.broadcasted_iota(jnp.int32, (_T, 1), 0)
    col_j = (col_i // _TJ) * _TJ + 4 * (col_i % 32) + (col_i % _TJ) // 32
    row_j = (row_i // _TJ) * _TJ + 4 * (row_i % 32) + (row_i % _TJ) // 32
    gt = (tsc > tsr) | ((tsc == tsr) & (col_j < row_j))
    rank = jnp.sum(gt.astype(jnp.float32), axis=1, keepdims=True)

    kio = lax.broadcasted_iota(jnp.int32, (1, _N), 1).astype(jnp.float32)
    sel = (rank == kio).astype(jnp.float32)
    jval = row_j.astype(jnp.float32)
    perm = lax.dot_general(sel, jval, (((0,), (0,)), ((), ())),
                           precision=jax.lax.Precision.HIGHEST,
                           preferred_element_type=jnp.float32)
    permi = (perm + 0.5).astype(jnp.int32)
    lio = lax.broadcasted_iota(jnp.int32, (1, _LT), 1)
    o_ref[0] = (base + (permi // _TJ) * (_LT * _TJ) + (permi % _TJ)
                + lio * _TJ)


def _finalize_kernel(t_hbm, c_hbm, o_ref, tbuf, cbuf, sem0, sem1):
    b = pl.program_id(0)
    pltpu.make_async_copy(c_hbm.at[pl.ds(b * _LC, _LC), :], cbuf, sem1).start()
    pltpu.make_async_copy(t_hbm.at[pl.ds(b * _N * _LT, _N * _LT), :], tbuf,
                          sem0).start()
    pltpu.make_async_copy(c_hbm.at[pl.ds(b * _LC, _LC), :], cbuf, sem1).wait()
    pltpu.make_async_copy(t_hbm.at[pl.ds(b * _N * _LT, _N * _LT), :], tbuf,
                          sem0).wait()
    t = tbuf[...]
    c = cbuf[...]
    u = lax.dot_general(t, c, (((1,), (1,)), ((), ())),
                        preferred_element_type=jnp.float32)
    u3 = u.reshape(_N, _LT, _LC)
    nrm = jnp.sqrt(jnp.sum(u3 * u3, axis=1, keepdims=True))
    o_ref[0] = u3 / nrm


def kernel(claim, targets, embeddings):
    B, LC = claim.shape
    _, T, LT = targets.shape
    D = embeddings.shape[1]
    N = _N

    t_g, c_g = _sc_gather_all(embeddings, targets.astype(jnp.int32),
                              claim.astype(jnp.int32))

    idxf = pl.pallas_call(
        _score_topk_kernel,
        grid=(B,),
        in_specs=[
            pl.BlockSpec(memory_space=pltpu.MemorySpace.HBM),
            pl.BlockSpec(memory_space=pltpu.MemorySpace.HBM),
        ],
        out_specs=pl.BlockSpec((1, N, LT), lambda b: (b, 0, 0)),
        out_shape=jax.ShapeDtypeStruct((B, N, LT), jnp.int32),
        scratch_shapes=[
            pltpu.VMEM((2, _LT * _TJ // 4, 4 * D), jnp.float32),
            pltpu.VMEM((LC, D), jnp.float32),
            pltpu.VMEM((_LC, _LT, _TJ), jnp.float32),
            pltpu.VMEM((1, _T), jnp.float32),
            pltpu.SemaphoreType.DMA,
            pltpu.SemaphoreType.DMA,
        ],
    )(t_g.reshape(B * T * LT // 4, 4 * D), c_g)

    sel_ids = idxf.reshape(-1)
    t_sel = _sc_gather(t_g, sel_ids, chunk=B * N * LT // _NW)

    fin = pl.pallas_call(
        _finalize_kernel,
        grid=(B,),
        in_specs=[
            pl.BlockSpec(memory_space=pltpu.MemorySpace.HBM),
            pl.BlockSpec(memory_space=pltpu.MemorySpace.HBM),
        ],
        out_specs=pl.BlockSpec((1, N, LT, LC), lambda b: (b, 0, 0, 0)),
        out_shape=jax.ShapeDtypeStruct((B, N, LT, LC), jnp.float32),
        scratch_shapes=[
            pltpu.VMEM((N * LT, D), jnp.float32),
            pltpu.VMEM((LC, D), jnp.float32),
            pltpu.SemaphoreType.DMA,
            pltpu.SemaphoreType.DMA,
        ],
    )(t_sel, c_g)

    return fin.transpose(0, 1, 3, 2)

# --- scband reference (transcript-rebuilt; emitter-appended) ---
"""Pipeline reference for scband-selector-nn-73040213835925 (READ-ONLY COPY).

The authoritative reference and input builder live on the scoring server;
editing this copy changes nothing except your own understanding.
"""

import jax, jax.numpy as jnp
import numpy as np

VOCAB = 100000
D = 32
B = 16
T = 512
LC = 16
LT = 32
N_TOP = 64

def setup_inputs(seed: int = 0) -> dict:
    key = jax.random.key(seed)
    k1, k2, k3 = jax.random.split(key, 3)
    claim = jax.random.randint(k1, (B, LC), 0, VOCAB, dtype=jnp.int64) if jax.config.jax_enable_x64 else jax.random.randint(k1, (B, LC), 0, VOCAB).astype(jnp.int32)
    targets = jax.random.randint(k2, (B, T, LT), 0, VOCAB, dtype=jnp.int64) if jax.config.jax_enable_x64 else jax.random.randint(k2, (B, T, LT), 0, VOCAB).astype(jnp.int32)
    embeddings = jax.random.normal(k3, (VOCAB, D), dtype=jnp.float32)
    return {"claim": claim, "targets": targets, "embeddings": embeddings}

def reference(claim, targets, embeddings):
    n = N_TOP
    # frozen pretrained embedding lookup (gather)
    c = jnp.take(embeddings, claim, axis=0)            # [B, Lc, d]
    t = jnp.take(embeddings, targets, axis=0)          # [B, T, Lt, d]
    # batch_U[b, j, :, :] = claim_emb[b] @ target_emb[b, j].T
    batch_U = jnp.matmul(c[:, None, :, :], jnp.swapaxes(t, -2, -1))  # [B, T, Lc, Lt]
    softmaxed = jax.nn.softmax(batch_U, axis=3)
    scores = jnp.max(softmaxed, axis=2)                # [B, T, Lt]
    target_scores = jnp.sum(scores, axis=2)            # [B, T]
    # top-n candidate sentences per claim (torch uses sorted=False; order of the n
    # selected rows may differ but the selected set/values match)
    _, idx = jax.lax.top_k(target_scores, n)           # [B, n]
    top = jnp.take_along_axis(batch_U, idx[:, :, None, None], axis=1)  # [B, n, Lc, Lt]
    finals = top / jnp.linalg.norm(top, axis=3, keepdims=True)
    return finals

if __name__ == "__main__":
    import jax
    _d = setup_inputs()
    print(jax.jit(kernel)(*tuple(_d.values())))

</pallas_src>

<mosaic_0001>
#map = affine_map<(d0, d1) -> (0)>
#map1 = affine_map<(d0, d1) -> (0, 0)>
module attributes {stable_mosaic.version = 14 : i64} {
  func.func @gather_kernel(%arg0: i32, %arg1: i32, %arg2: memref<32768xi32, #tpu.memory_space<hbm>>, %arg3: memref<262144x32xf32, #tpu.memory_space<hbm>>, %arg4: memref<32768x32xf32, #tpu.memory_space<hbm>>, %arg5: memref<1024xi32, #tpu.memory_space<vmem>>, %arg6: memref<1024x32xf32, #tpu.memory_space<vmem>>, %arg7: memref<!tpu.dma_semaphore, #tpu.memory_space<semaphore_mem>>) attributes {dimension_semantics = [#tpu.dimension_semantics<core_parallel>, #tpu.dimension_semantics<subcore_parallel>], iteration_bounds = array<i64: 2, 16>, scalar_prefetch = 0 : i64, scratch_operands = 3 : i64, tpu.core_type = #tpu.core_type<sc_vector_subcore>, window_params = [{transform_indices = #map}, {transform_indices = #map1}, {transform_indices = #map1}]} {
    %mul3A = arith.constant 2 : i32
    %mul3A_0 = arith.muli %arg1, %mul3A : i32
    %add3A = arith.addi %mul3A_0, %arg0 : i32
    %mul3A_1 = arith.constant 1024 : i32
    %mul3A_2 = arith.muli %add3A, %mul3A_1 : i32
    %scan3A = arith.constant 0 : i32
    %scan3A_3 = arith.constant 0 : i32
    %mul3A_4 = arith.constant 1024 : i32
    %mul3A_5 = arith.muli %scan3A_3, %mul3A_4 : i32
    %add3A_6 = arith.addi %mul3A_2, %mul3A_5 : i32
    "tpu.region"() ({
      %run_scoped3A = tpu.sem_alloc : memref<!tpu.dma_semaphore, #tpu.memory_space<semaphore_mem>>
      %dma_start3A_12 = tpu.memref_slice %arg2[%add3A_6] : memref<32768xi32, #tpu.memory_space<hbm>> -> memref<1024xi32, #tpu.memory_space<hbm>>
      %dma_start3A_13 = tpu.memref_slice %arg2[%add3A_6] : memref<32768xi32, #tpu.memory_space<hbm>> -> memref<1024xi32, #tpu.memory_space<hbm>>
      tpu.enqueue_dma source(%dma_start3A_13 : memref<1024xi32, #tpu.memory_space<hbm>>) target(%arg5 : memref<1024xi32, #tpu.memory_space<vmem>>) target_semaphore(%run_scoped3A : memref<!tpu.dma_semaphore, #tpu.memory_space<semaphore_mem>>)
      %dma_wait3A_14 = tpu.memref_slice %arg2[%add3A_6] : memref<32768xi32, #tpu.memory_space<hbm>> -> memref<1024xi32, #tpu.memory_space<hbm>>
      %dma_wait3A_15 = tpu.memref_slice %arg2[%add3A_6] : memref<32768xi32, #tpu.memory_space<hbm>> -> memref<1024xi32, #tpu.memory_space<hbm>>
      tpu.wait_dma2 semaphore(%run_scoped3A : memref<!tpu.dma_semaphore, #tpu.memory_space<semaphore_mem>>) src(%dma_wait3A_15 : memref<1024xi32, #tpu.memory_space<hbm>>) dst(%arg5 : memref<1024xi32, #tpu.memory_space<vmem>>)
      tpu.yield
    }) : () -> ()
    %dma_start3A = arith.constant 0 : i32
    %dma_start3A_7 = arith.constant 0 : i32
    %dma_start3A_8 = tpu.memref_slice %arg3[%dma_start3A, %dma_start3A_7] : memref<262144x32xf32, #tpu.memory_space<hbm>> -> memref<262144x32xf32, #tpu.memory_space<hbm>>
    tpu.enqueue_indirect_dma source(%dma_start3A_8 : memref<262144x32xf32, #tpu.memory_space<hbm>>) target(%arg6 : memref<1024x32xf32, #tpu.memory_space<vmem>>) offsets(%arg5 : memref<1024xi32, #tpu.memory_space<vmem>>) semaphore(%arg7 : memref<!tpu.dma_semaphore, #tpu.memory_space<semaphore_mem>>)
    %dma_wait3A = arith.constant 0 : i32
    %dma_wait3A_9 = arith.constant 0 : i32
    %dma_wait3A_10 = tpu.memref_slice %arg3[%dma_wait3A, %dma_wait3A_9] : memref<262144x32xf32, #tpu.memory_space<hbm>> -> memref<262144x32xf32, #tpu.memory_space<hbm>>
    tpu.wait_indirect_dma semaphore(%arg7 : memref<!tpu.dma_semaphore, #tpu.memory_space<semaphore_mem>>) src(%dma_wait3A_10 : memref<262144x32xf32, #tpu.memory_space<hbm>>) dst(%arg6 : memref<1024x32xf32, #tpu.memory_space<vmem>>)
    "tpu.region"() ({
      %run_scoped3A = tpu.sem_alloc : memref<!tpu.dma_semaphore, #tpu.memory_space<semaphore_mem>>
      %dma_start3A_12 = arith.constant 0 : i32
      %dma_start3A_13 = tpu.memref_slice %arg4[%add3A_6, %dma_start3A_12] : memref<32768x32xf32, #tpu.memory_space<hbm>> -> memref<1024x32xf32, #tpu.memory_space<hbm>>
      %dma_start3A_14 = arith.constant 0 : i32
      %dma_start3A_15 = tpu.memref_slice %arg4[%add3A_6, %dma_start3A_14] : memref<32768x32xf32, #tpu.memory_space<hbm>> -> memref<1024x32xf32, #tpu.memory_space<hbm>>
      tpu.enqueue_dma source(%arg6 : memref<1024x32xf32, #tpu.memory_space<vmem>>) target(%dma_start3A_15 : memref<1024x32xf32, #tpu.memory_space<hbm>>) target_semaphore(%run_scoped3A : memref<!tpu.dma_semaphore, #tpu.memory_space<semaphore_mem>>)
      %dma_wait3A_16 = arith.constant 0 : i32
      %dma_wait3A_17 = tpu.memref_slice %arg4[%add3A_6, %dma_wait3A_16] : memref<32768x32xf32, #tpu.memory_space<hbm>> -> memref<1024x32xf32, #tpu.memory_space<hbm>>
      %dma_wait3A_18 = arith.constant 0 : i32
      %dma_wait3A_19 = tpu.memref_slice %arg4[%add3A_6, %dma_wait3A_18] : memref<32768x32xf32, #tpu.memory_space<hbm>> -> memref<1024x32xf32, #tpu.memory_space<hbm>>
      tpu.wait_dma2 semaphore(%run_scoped3A : memref<!tpu.dma_semaphore, #tpu.memory_space<semaphore_mem>>) src(%arg6 : memref<1024x32xf32, #tpu.memory_space<vmem>>) dst(%dma_wait3A_19 : memref<1024x32xf32, #tpu.memory_space<hbm>>)
      tpu.yield
    }) : () -> ()
    %scan3A_11 = arith.constant 1 : i32
    return
  }
}

#map = affine_map<(d0, d1) -> (0, 0, 0)>
#map1 = affine_map<(d0, d1) -> (0, 0)>
module attributes {stable_mosaic.version = 14 : i64} {
  func.func @gather_kernel(%arg0: i32, %arg1: i32, %arg2: memref<16x512x32xi32, #tpu.memory_space<hbm>>, %arg3: memref<16x16xi32, #tpu.memory_space<hbm>>, %arg4: memref<100000x32xf32, #tpu.memory_space<hbm>>, %arg5: memref<262144x32xf32, #tpu.memory_space<hbm>>, %arg6: memref<256x32xf32, #tpu.memory_space<hbm>>, %arg7: memref<64x32xi32, #tpu.memory_space<vmem>>, %arg8: memref<2048xi32, #tpu.memory_space<vmem>>, %arg9: memref<2048xi32, #tpu.memory_space<vmem>>, %arg10: memref<2048x32xf32, #tpu.memory_space<vmem>>, %arg11: memref<8xi32, #tpu.memory_space<vmem>>, %arg12: memref<8x32xf32, #tpu.memory_space<vmem>>, %arg13: memref<!tpu.dma_semaphore, #tpu.memory_space<semaphore_mem>>) attributes {dimension_semantics = [#tpu.dimension_semantics<core_parallel>, #tpu.dimension_semantics<subcore_parallel>], iteration_bounds = array<i64: 2, 16>, scalar_prefetch = 0 : i64, scratch_operands = 7 : i64, tpu.core_type = #tpu.core_type<sc_vector_subcore>, window_params = [{transform_indices = #map}, {transform_indices = #map1}, {transform_indices = #map1}, {transform_indices = #map1}, {transform_indices = #map1}]} {
    %mul3A = arith.constant 2 : i32
    %mul3A_0 = arith.muli %arg1, %mul3A : i32
    %add3A = arith.addi %mul3A_0, %arg0 : i32
    %jit3A = arith.constant 2 : i32
    %div3A = arith.divsi %add3A, %jit3A : i32
    %sign3A = arith.constant 0 : i32
    %sign3A_1 = arith.cmpi sgt, %add3A, %sign3A : i32
    %sign3A_2 = arith.extui %sign3A_1 : i1 to i32
    %sign3A_3 = arith.constant 0 : i32
    %sign3A_4 = arith.cmpi slt, %add3A, %sign3A_3 : i32
    %sign3A_5 = arith.extui %sign3A_4 : i1 to i32
    %sign3A_6 = arith.subi %sign3A_2, %sign3A_5 : i32
    %sign3A_7 = arith.constant 0 : i32
    %sign3A_8 = arith.cmpi sgt, %jit3A, %sign3A_7 : i32
    %sign3A_9 = arith.extui %sign3A_8 : i1 to i32
    %sign3A_10 = arith.constant 0 : i32
    %sign3A_11 = arith.cmpi slt, %jit3A, %sign3A_10 : i32
    %sign3A_12 = arith.extui %sign3A_11 : i1 to i32
    %sign3A_13 = arith.subi %sign3A_9, %sign3A_12 : i32
    %ne3A = arith.cmpi ne, %sign3A_6, %sign3A_13 : i32
    %rem3A = arith.remsi %add3A, %jit3A : i32
    %ne3A_14 = arith.constant 0 : i32
    %ne3A_15 = arith.cmpi ne, %rem3A, %ne3A_14 : i32
    %and3A = arith.andi %ne3A, %ne3A_15 : i1
    %sub3A = arith.constant 1 : i32
    %sub3A_16 = arith.subi %div3A, %sub3A : i32
    %select_n3A = arith.select %and3A, %sub3A_16, %div3A : i32
    %jit3A_17 = arith.constant 2 : i32
    %eq3A = arith.constant 0 : i32
    %eq3A_18 = arith.cmpi eq, %jit3A_17, %eq3A : i32
    %jit3A_19 = arith.constant 1 : i32
    %select_n3A_20 = arith.select %eq3A_18, %jit3A_19, %jit3A_17 : i32
    %rem3A_21 = arith.remsi %add3A, %select_n3A_20 : i32
    %ne3A_22 = arith.constant 0 : i32
    %ne3A_23 = arith.cmpi ne, %rem3A_21, %ne3A_22 : i32
    %lt3A = arith.constant 0 : i32
    %lt3A_24 = arith.cmpi slt, %rem3A_21, %lt3A : i32
    %lt3A_25 = arith.constant 0 : i32
    %lt3A_26 = arith.cmpi slt, %select_n3A_20, %lt3A_25 : i32
    %ne3A_27 = arith.xori %lt3A_24, %lt3A_26 : i1
    %and3A_28 = arith.andi %ne3A_27, %ne3A_23 : i1
    %add3A_29 = arith.addi %rem3A_21, %select_n3A_20 : i32
    %select_n3A_30 = arith.select %and3A_28, %add3A_29, %rem3A_21 : i32
    %mul3A_31 = arith.constant 8 : i32
    %mul3A_32 = arith.muli %add3A, %mul3A_31 : i32
    %mul3A_33 = arith.constant 8 : i32
    %mul3A_34 = arith.muli %select_n3A_30, %mul3A_33 : i32
    "tpu.region"() ({
      %run_scoped3A = tpu.sem_alloc : memref<!tpu.dma_semaphore, #tpu.memory_space<semaphore_mem>>
      %dma_start3A_46 = tpu.memref_slice %arg3[%select_n3A, %mul3A_34] : memref<16x16xi32, #tpu.memory_space<hbm>> -> memref<1x8xi32, #tpu.memory_space<hbm>>
      %dma_start3A_47 = tpu.memref_squeeze %dma_start3A_46 : memref<1x8xi32, #tpu.memory_space<hbm>> -> memref<8xi32, #tpu.memory_space<hbm>>
      %dma_start3A_48 = tpu.memref_slice %arg3[%select_n3A, %mul3A_34] : memref<16x16xi32, #tpu.memory_space<hbm>> -> memref<1x8xi32, #tpu.memory_space<hbm>>
      %dma_start3A_49 = tpu.memref_squeeze %dma_start3A_48 : memref<1x8xi32, #tpu.memory_space<hbm>> -> memref<8xi32, #tpu.memory_space<hbm>>
      tpu.enqueue_dma source(%dma_start3A_49 : memref<8xi32, #tpu.memory_space<hbm>>) target(%arg11 : memref<8xi32, #tpu.memory_space<vmem>>) target_semaphore(%run_scoped3A : memref<!tpu.dma_semaphore, #tpu.memory_space<semaphore_mem>>)
      %dma_wait3A_50 = tpu.memref_slice %arg3[%select_n3A, %mul3A_34] : memref<16x16xi32, #tpu.memory_space<hbm>> -> memref<1x8xi32, #tpu.memory_space<hbm>>
      %dma_wait3A_51 = tpu.memref_squeeze %dma_wait3A_50 : memref<1x8xi32, #tpu.memory_space<hbm>> -> memref<8xi32, #tpu.memory_space<hbm>>
      %dma_wait3A_52 = tpu.memref_slice %arg3[%select_n3A, %mul3A_34] : memref<16x16xi32, #tpu.memory_space<hbm>> -> memref<1x8xi32, #tpu.memory_space<hbm>>
      %dma_wait3A_53 = tpu.memref_squeeze %dma_wait3A_52 : memref<1x8xi32, #tpu.memory_space<hbm>> -> memref<8xi32, #tpu.memory_space<hbm>>
      tpu.wait_dma2 semaphore(%run_scoped3A : memref<!tpu.dma_semaphore, #tpu.memory_space<semaphore_mem>>) src(%dma_wait3A_53 : memref<8xi32, #tpu.memory_space<hbm>>) dst(%arg11 : memref<8xi32, #tpu.memory_space<vmem>>)
      tpu.yield
    }) : () -> ()
    %dma_start3A = arith.constant 0 : i32
    %dma_start3A_35 = arith.constant 0 : i32
    %dma_start3A_36 = tpu.memref_slice %arg4[%dma_start3A, %dma_start3A_35] : memref<100000x32xf32, #tpu.memory_space<hbm>> -> memref<100000x32xf32, #tpu.memory_space<hbm>>
    tpu.enqueue_indirect_dma source(%dma_start3A_36 : memref<100000x32xf32, #tpu.memory_space<hbm>>) target(%arg12 : memref<8x32xf32, #tpu.memory_space<vmem>>) offsets(%arg11 : memref<8xi32, #tpu.memory_space<vmem>>) semaphore(%arg13 : memref<!tpu.dma_semaphore, #tpu.memory_space<semaphore_mem>>)
    %dma_wait3A = arith.constant 0 : i32
    %dma_wait3A_37 = arith.constant 0 : i32
    %dma_wait3A_38 = tpu.memref_slice %arg4[%dma_wait3A, %dma_wait3A_37] : memref<100000x32xf32, #tpu.memory_space<hbm>> -> memref<100000x32xf32, #tpu.memory_space<hbm>>
    tpu.wait_indirect_dma semaphore(%arg13 : memref<!tpu.dma_semaphore, #tpu.memory_space<semaphore_mem>>) src(%dma_wait3A_38 : memref<100000x32xf32, #tpu.memory_space<hbm>>) dst(%arg12 : memref<8x32xf32, #tpu.memory_space<vmem>>)
    "tpu.region"() ({
      %run_scoped3A = tpu.sem_alloc : memref<!tpu.dma_semaphore, #tpu.memory_space<semaphore_mem>>
      %dma_start3A_46 = arith.constant 0 : i32
      %dma_start3A_47 = tpu.memref_slice %arg6[%mul3A_32, %dma_start3A_46] : memref<256x32xf32, #tpu.memory_space<hbm>> -> memref<8x32xf32, #tpu.memory_space<hbm>>
      %dma_start3A_48 = arith.constant 0 : i32
      %dma_start3A_49 = tpu.memref_slice %arg6[%mul3A_32, %dma_start3A_48] : memref<256x32xf32, #tpu.memory_space<hbm>> -> memref<8x32xf32, #tpu.memory_space<hbm>>
      tpu.enqueue_dma source(%arg12 : memref<8x32xf32, #tpu.memory_space<vmem>>) target(%dma_start3A_49 : memref<8x32xf32, #tpu.memory_space<hbm>>) target_semaphore(%run_scoped3A : memref<!tpu.dma_semaphore, #tpu.memory_space<semaphore_mem>>)
      %dma_wait3A_50 = arith.constant 0 : i32
      %dma_wait3A_51 = tpu.memref_slice %arg6[%mul3A_32, %dma_wait3A_50] : memref<256x32xf32, #tpu.memory_space<hbm>> -> memref<8x32xf32, #tpu.memory_space<hbm>>
      %dma_wait3A_52 = arith.constant 0 : i32
      %dma_wait3A_53 = tpu.memref_slice %arg6[%mul3A_32, %dma_wait3A_52] : memref<256x32xf32, #tpu.memory_space<hbm>> -> memref<8x32xf32, #tpu.memory_space<hbm>>
      tpu.wait_dma2 semaphore(%run_scoped3A : memref<!tpu.dma_semaphore, #tpu.memory_space<semaphore_mem>>) src(%arg12 : memref<8x32xf32, #tpu.memory_space<vmem>>) dst(%dma_wait3A_53 : memref<8x32xf32, #tpu.memory_space<hbm>>)
      tpu.yield
    }) : () -> ()
    %mul3A_39 = arith.constant 256 : i32
    %mul3A_40 = arith.muli %select_n3A_30, %mul3A_39 : i32
    %iota3A = tpu.iota {dimensions = array<i32: 0>} : vector<16xi32>
    %scan3A = arith.constant 0 : i32
    %scan3A_41 = arith.constant 0 : i32
    %scan3A_42 = arith.constant 4 : i32
    %scan3A_43 = arith.addi %scan3A_41, %scan3A_42 : i32
    %scan3A_44 = arith.constant 1 : i32
    scf.for %scan3A_46 = %scan3A_41 to %scan3A_43 step %scan3A_44  : i32 {
      %mul3A_47 = arith.constant 64 : i32
      %mul3A_48 = arith.muli %scan3A_46, %mul3A_47 : i32
      %add3A_49 = arith.addi %mul3A_40, %mul3A_48 : i32
      "tpu.region"() ({
        %run_scoped3A = tpu.sem_alloc : memref<!tpu.dma_semaphore, #tpu.memory_space<semaphore_mem>>
        %dma_start3A_68 = arith.constant 0 : i32
        %dma_start3A_69 = tpu.memref_slice %arg2[%select_n3A, %add3A_49, %dma_start3A_68] : memref<16x512x32xi32, #tpu.memory_space<hbm>> -> memref<1x64x32xi32, #tpu.memory_space<hbm>>
        %dma_start3A_70 = tpu.memref_squeeze %dma_start3A_69 : memref<1x64x32xi32, #tpu.memory_space<hbm>> -> memref<64x32xi32, #tpu.memory_space<hbm>>
        %dma_start3A_71 = arith.constant 0 : i32
        %dma_start3A_72 = tpu.memref_slice %arg2[%select_n3A, %add3A_49, %dma_start3A_71] : memref<16x512x32xi32, #tpu.memory_space<hbm>> -> memref<1x64x32xi32, #tpu.memory_space<hbm>>
        %dma_start3A_73 = tpu.memref_squeeze %dma_start3A_72 : memref<1x64x32xi32, #tpu.memory_space<hbm>> -> memref<64x32xi32, #tpu.memory_space<hbm>>
        tpu.enqueue_dma source(%dma_start3A_73 : memref<64x32xi32, #tpu.memory_space<hbm>>) target(%arg7 : memref<64x32xi32, #tpu.memory_space<vmem>>) target_semaphore(%run_scoped3A : memref<!tpu.dma_semaphore, #tpu.memory_space<semaphore_mem>>)
        %dma_wait3A_74 = arith.constant 0 : i32
        %dma_wait3A_75 = tpu.memref_slice %arg2[%select_n3A, %add3A_49, %dma_wait3A_74] : memref<16x512x32xi32, #tpu.memory_space<hbm>> -> memref<1x64x32xi32, #tpu.memory_space<hbm>>
        %dma_wait3A_76 = tpu.memref_squeeze %dma_wait3A_75 : memref<1x64x32xi32, #tpu.memory_space<hbm>> -> memref<64x32xi32, #tpu.memory_space<hbm>>
        %dma_wait3A_77 = arith.constant 0 : i32
        %dma_wait3A_78 = tpu.memref_slice %arg2[%select_n3A, %add3A_49, %dma_wait3A_77] : memref<16x512x32xi32, #tpu.memory_space<hbm>> -> memref<1x64x32xi32, #tpu.memory_space<hbm>>
        %dma_wait3A_79 = tpu.memref_squeeze %dma_wait3A_78 : memref<1x64x32xi32, #tpu.memory_space<hbm>> -> memref<64x32xi32, #tpu.memory_space<hbm>>
        tpu.wait_dma2 semaphore(%run_scoped3A : memref<!tpu.dma_semaphore, #tpu.memory_space<semaphore_mem>>) src(%dma_wait3A_79 : memref<64x32xi32, #tpu.memory_space<hbm>>) dst(%arg7 : memref<64x32xi32, #tpu.memory_space<vmem>>)
        tpu.yield
      }) : () -> ()
      %scan3A_50 = arith.constant 0 : i32
      %scan3A_51 = arith.constant 0 : i32
      %scan3A_52 = arith.constant 64 : i32
      %scan3A_53 = arith.addi %scan3A_51, %scan3A_52 : i32
      %scan3A_54 = arith.constant 1 : i32
      scf.for %scan3A_68 = %scan3A_51 to %scan3A_53 step %scan3A_54  : i32 {
        %mul3A_69 = arith.constant 64 : i32
        %mul3A_70 = arith.muli %scan3A_46, %mul3A_69 : i32
        %add3A_71 = arith.addi %mul3A_40, %mul3A_70 : i32
        %add3A_72 = arith.addi %add3A_71, %scan3A_68 : i32
        %mul3A_73 = arith.constant 16384 : i32
        %mul3A_74 = arith.muli %select_n3A, %mul3A_73 : i32
        %jit3A_75 = arith.constant 128 : i32
        %div3A_76 = arith.divsi %add3A_72, %jit3A_75 : i32
        %sign3A_77 = arith.constant 0 : i32
        %sign3A_78 = arith.cmpi sgt, %add3A_72, %sign3A_77 : i32
        %sign3A_79 = arith.extui %sign3A_78 : i1 to i32
        %sign3A_80 = arith.constant 0 : i32
        %sign3A_81 = arith.cmpi slt, %add3A_72, %sign3A_80 : i32
        %sign3A_82 = arith.extui %sign3A_81 : i1 to i32
        %sign3A_83 = arith.subi %sign3A_79, %sign3A_82 : i32
        %sign3A_84 = arith.constant 0 : i32
        %sign3A_85 = arith.cmpi sgt, %jit3A_75, %sign3A_84 : i32
        %sign3A_86 = arith.extui %sign3A_85 : i1 to i32
        %sign3A_87 = arith.constant 0 : i32
        %sign3A_88 = arith.cmpi slt, %jit3A_75, %sign3A_87 : i32
        %sign3A_89 = arith.extui %sign3A_88 : i1 to i32
        %sign3A_90 = arith.subi %sign3A_86, %sign3A_89 : i32
        %ne3A_91 = arith.cmpi ne, %sign3A_83, %sign3A_90 : i32
        %rem3A_92 = arith.remsi %add3A_72, %jit3A_75 : i32
        %ne3A_93 = arith.constant 0 : i32
        %ne3A_94 = arith.cmpi ne, %rem3A_92, %ne3A_93 : i32
        %and3A_95 = arith.andi %ne3A_91, %ne3A_94 : i1
        %sub3A_96 = arith.constant 1 : i32
        %sub3A_97 = arith.subi %div3A_76, %sub3A_96 : i32
        %select_n3A_98 = arith.select %and3A_95, %sub3A_97, %div3A_76 : i32
        %mul3A_99 = arith.constant 4096 : i32
        %mul3A_100 = arith.muli %select_n3A_98, %mul3A_99 : i32
        %add3A_101 = arith.addi %mul3A_74, %mul3A_100 : i32
        %jit3A_102 = arith.constant 128 : i32
        %eq3A_103 = arith.constant 0 : i32
        %eq3A_104 = arith.cmpi eq, %jit3A_102, %eq3A_103 : i32
        %jit3A_105 = arith.constant 1 : i32
        %select_n3A_106 = arith.select %eq3A_104, %jit3A_105, %jit3A_102 : i32
        %rem3A_107 = arith.remsi %add3A_72, %select_n3A_106 : i32
        %ne3A_108 = arith.constant 0 : i32
        %ne3A_109 = arith.cmpi ne, %rem3A_107, %ne3A_108 : i32
        %lt3A_110 = arith.constant 0 : i32
        %lt3A_111 = arith.cmpi slt, %rem3A_107, %lt3A_110 : i32
        %lt3A_112 = arith.constant 0 : i32
        %lt3A_113 = arith.cmpi slt, %select_n3A_106, %lt3A_112 : i32
        %ne3A_114 = arith.xori %lt3A_111, %lt3A_113 : i1
        %and3A_115 = arith.andi %ne3A_114, %ne3A_109 : i1
        %add3A_116 = arith.addi %rem3A_107, %select_n3A_106 : i32
        %select_n3A_117 = arith.select %and3A_115, %add3A_116, %rem3A_107 : i32
        %add3A_118 = arith.addi %add3A_101, %select_n3A_117 : i32
        %get3A = arith.index_cast %scan3A_68 : i32 to index
        %get3A_119 = arith.constant 0 : index
        %get3A_120 = tpu.vector_load %arg7[%get3A, %get3A_119] {strides = array<i32>} : memref<64x32xi32, #tpu.memory_space<vmem>>, vector<1x16xi32>,
        %get3A_121 = vector.shape_cast %get3A_120 : vector<1x16xi32> to vector<16xi32>
        %mul3A_122 = arith.constant 32 : i32
        %mul3A_123 = arith.muli %scan3A_68, %mul3A_122 : i32
        %add3A_124 = arith.constant 0 : i32
        %add3A_125 = arith.addi %mul3A_123, %add3A_124 : i32
        %swap3A = arith.index_cast %add3A_125 : i32 to index
        %swap3A_126 = tpu.vector_load %arg8[%swap3A] {strides = array<i32>} : memref<2048xi32, #tpu.memory_space<vmem>>, vector<16xi32>,
        %swap3A_127 = vector.shape_cast %swap3A_126 : vector<16xi32> to vector<16xi32>
        %swap3A_128 = vector.shape_cast %get3A_121 : vector<16xi32> to vector<16xi32>
        tpu.vector_store %arg8[%swap3A], %swap3A_128 {strides = array<i32>} : memref<2048xi32, #tpu.memory_space<vmem>>, vector<16xi32>,
        %add3A_129 = arith.constant 0 : i32
        %add3A_130 = vector.broadcast %add3A_129 : i32 to vector<16xi32>
        %add3A_131 = arith.addi %iota3A, %add3A_130 : vector<16xi32>
        %mul3A_132 = arith.constant 128 : i32
        %mul3A_133 = vector.broadcast %mul3A_132 : i32 to vector<16xi32>
        %mul3A_134 = arith.muli %add3A_131, %mul3A_133 : vector<16xi32>
        %add3A_135 = vector.broadcast %add3A_118 : i32 to vector<16xi32>
        %add3A_136 = arith.addi %add3A_135, %mul3A_134 : vector<16xi32>
        %mul3A_137 = arith.constant 32 : i32
        %mul3A_138 = arith.muli %scan3A_68, %mul3A_137 : i32
        %add3A_139 = arith.constant 0 : i32
        %add3A_140 = arith.addi %mul3A_138, %add3A_139 : i32
        %swap3A_141 = arith.index_cast %add3A_140 : i32 to index
        %swap3A_142 = tpu.vector_load %arg9[%swap3A_141] {strides = array<i32>} : memref<2048xi32, #tpu.memory_space<vmem>>, vector<16xi32>,
        %swap3A_143 = vector.shape_cast %swap3A_142 : vector<16xi32> to vector<16xi32>
        %swap3A_144 = vector.shape_cast %add3A_136 : vector<16xi32> to vector<16xi32>
        tpu.vector_store %arg9[%swap3A_141], %swap3A_144 {strides = array<i32>} : memref<2048xi32, #tpu.memory_space<vmem>>, vector<16xi32>,
        %get3A_145 = arith.index_cast %scan3A_68 : i32 to index
        %get3A_146 = arith.constant 16 : index
        %get3A_147 = tpu.vector_load %arg7[%get3A_145, %get3A_146] {strides = array<i32>} : memref<64x32xi32, #tpu.memory_space<vmem>>, vector<1x16xi32>,
        %get3A_148 = vector.shape_cast %get3A_147 : vector<1x16xi32> to vector<16xi32>
        %mul3A_149 = arith.constant 32 : i32
        %mul3A_150 = arith.muli %scan3A_68, %mul3A_149 : i32
        %add3A_151 = arith.constant 16 : i32
        %add3A_152 = arith.addi %mul3A_150, %add3A_151 : i32
        %swap3A_153 = arith.index_cast %add3A_152 : i32 to index
        %swap3A_154 = tpu.vector_load %arg8[%swap3A_153] {strides = array<i32>} : memref<2048xi32, #tpu.memory_space<vmem>>, vector<16xi32>,
        %swap3A_155 = vector.shape_cast %swap3A_154 : vector<16xi32> to vector<16xi32>
        %swap3A_156 = vector.shape_cast %get3A_148 : vector<16xi32> to vector<16xi32>
        tpu.vector_store %arg8[%swap3A_153], %swap3A_156 {strides = array<i32>} : memref<2048xi32, #tpu.memory_space<vmem>>, vector<16xi32>,
        %add3A_157 = arith.constant 16 : i32
        %add3A_158 = vector.broadcast %add3A_157 : i32 to vector<16xi32>
        %add3A_159 = arith.addi %iota3A, %add3A_158 : vector<16xi32>
        %mul3A_160 = arith.constant 128 : i32
        %mul3A_161 = vector.broadcast %mul3A_160 : i32 to vector<16xi32>
        %mul3A_162 = arith.muli %add3A_159, %mul3A_161 : vector<16xi32>
        %add3A_163 = vector.broadcast %add3A_118 : i32 to vector<16xi32>
        %add3A_164 = arith.addi %add3A_163, %mul3A_162 : vector<16xi32>
        %mul3A_165 = arith.constant 32 : i32
        %mul3A_166 = arith.muli %scan3A_68, %mul3A_165 : i32
        %add3A_167 = arith.constant 16 : i32
        %add3A_168 = arith.addi %mul3A_166, %add3A_167 : i32
        %swap3A_169 = arith.index_cast %add3A_168 : i32 to index
        %swap3A_170 = tpu.vector_load %arg9[%swap3A_169] {strides = array<i32>} : memref<2048xi32, #tpu.memory_space<vmem>>, vector<16xi32>,
        %swap3A_171 = vector.shape_cast %swap3A_170 : vector<16xi32> to vector<16xi32>
        %swap3A_172 = vector.shape_cast %add3A_164 : vector<16xi32> to vector<16xi32>
        tpu.vector_store %arg9[%swap3A_169], %swap3A_172 {strides = array<i32>} : memref<2048xi32, #tpu.memory_space<vmem>>, vector<16xi32>,
      }
      %scan3A_55 = arith.constant 64 : i32
      %dma_start3A_56 = arith.constant 0 : i32
      %dma_start3A_57 = arith.constant 0 : i32
      %dma_start3A_58 = tpu.memref_slice %arg4[%dma_start3A_56, %dma_start3A_57] : memref<100000x32xf32, #tpu.memory_space<hbm>> -> memref<100000x32xf32, #tpu.memory_space<hbm>>
      tpu.enqueue_indirect_dma source(%dma_start3A_58 : memref<100000x32xf32, #tpu.memory_space<hbm>>) target(%arg10 : memref<2048x32xf32, #tpu.memory_space<vmem>>) offsets(%arg8 : memref<2048xi32, #tpu.memory_space<vmem>>) semaphore(%arg13 : memref<!tpu.dma_semaphore, #tpu.memory_space<semaphore_mem>>)
      %dma_wait3A_59 = arith.constant 0 : i32
      %dma_wait3A_60 = arith.constant 0 : i32
      %dma_wait3A_61 = tpu.memref_slice %arg4[%dma_wait3A_59, %dma_wait3A_60] : memref<100000x32xf32, #tpu.memory_space<hbm>> -> memref<100000x32xf32, #tpu.memory_space<hbm>>
      tpu.wait_indirect_dma semaphore(%arg13 : memref<!tpu.dma_semaphore, #tpu.memory_space<semaphore_mem>>) src(%dma_wait3A_61 : memref<100000x32xf32, #tpu.memory_space<hbm>>) dst(%arg10 : memref<2048x32xf32, #tpu.memory_space<vmem>>)
      %dma_start3A_62 = arith.constant 0 : i32
      %dma_start3A_63 = arith.constant 0 : i32
      %dma_start3A_64 = tpu.memref_slice %arg5[%dma_start3A_62, %dma_start3A_63] : memref<262144x32xf32, #tpu.memory_space<hbm>> -> memref<262144x32xf32, #tpu.memory_space<hbm>>
      tpu.enqueue_indirect_dma source(%arg10 : memref<2048x32xf32, #tpu.memory_space<vmem>>) target(%dma_start3A_64 : memref<262144x32xf32, #tpu.memory_space<hbm>>) offsets(%arg9 : memref<2048xi32, #tpu.memory_space<vmem>>) semaphore(%arg13 : memref<!tpu.dma_semaphore, #tpu.memory_space<semaphore_mem>>)
      %dma_wait3A_65 = arith.constant 0 : i32
      %dma_wait3A_66 = arith.constant 0 : i32
      %dma_wait3A_67 = tpu.memref_slice %arg5[%dma_wait3A_65, %dma_wait3A_66] : memref<262144x32xf32, #tpu.memory_space<hbm>> -> memref<262144x32xf32, #tpu.memory_space<hbm>>
      tpu.wait_indirect_dma semaphore(%arg13 : memref<!tpu.dma_semaphore, #tpu.memory_space<semaphore_mem>>) src(%arg10 : memref<2048x32xf32, #tpu.memory_space<vmem>>) dst(%dma_wait3A_67 : memref<262144x32xf32, #tpu.memory_space<hbm>>)
    }
    %scan3A_45 = arith.constant 4 : i32
    return
  }
}

module attributes {stable_mosaic.version = 14 : i64} {
  func.func @_score_topk_kernel(%arg0: i32, %arg1: memref<65536x128xf32, #tpu.memory_space<hbm>>, %arg2: memref<256x32xf32, #tpu.memory_space<hbm>>, %arg3: memref<1x64x32xi32, #tpu.memory_space<vmem>>, %arg4: memref<2x1024x128xf32, #tpu.memory_space<vmem>>, %arg5: memref<16x32xf32, #tpu.memory_space<vmem>>, %arg6: memref<16x32x128xf32, #tpu.memory_space<vmem>>, %arg7: memref<1x512xf32, #tpu.memory_space<vmem>>, %arg8: memref<!tpu.dma_semaphore, #tpu.memory_space<semaphore_mem>>, %arg9: memref<!tpu.dma_semaphore, #tpu.memory_space<semaphore_mem>>) attributes {dimension_semantics = [#tpu.dimension_semantics<arbitrary>], iteration_bounds = array<i64: 16>, scalar_prefetch = 0 : i64, scratch_operands = 6 : i64, tpu.core_type = #tpu.core_type<tc>, window_params = [{}, {}, {transform_indices = @transform_2, window_bounds = array<i64: 1, 64, 32>}]} {
    %mul3A = arith.constant 16384 : i32
    %mul3A_0 = arith.muli %arg0, %mul3A : i32
    %mul3A_1 = arith.constant 16 : i32
    %mul3A_2 = arith.muli %arg0, %mul3A_1 : i32
    %dma_start3A = arith.constant 0 : i32
    %dma_start3A_3 = tpu.memref_slice %arg2[%mul3A_2, %dma_start3A] : memref<256x32xf32, #tpu.memory_space<hbm>> -> memref<16x32xf32, #tpu.memory_space<hbm>>
    tpu.enqueue_dma source(%dma_start3A_3 : memref<16x32xf32, #tpu.memory_space<hbm>>) target(%arg5 : memref<16x32xf32, #tpu.memory_space<vmem>>) target_semaphore(%arg9 : memref<!tpu.dma_semaphore, #tpu.memory_space<semaphore_mem>>)
    %jit3A = arith.constant 4 : i32
    %div3A = arith.divsi %mul3A_0, %jit3A : i32
    %sign3A = arith.constant 0 : i32
    %sign3A_4 = arith.cmpi sgt, %mul3A_0, %sign3A : i32
    %sign3A_5 = arith.extui %sign3A_4 : i1 to i32
    %sign3A_6 = arith.constant 0 : i32
    %sign3A_7 = arith.cmpi slt, %mul3A_0, %sign3A_6 : i32
    %sign3A_8 = arith.extui %sign3A_7 : i1 to i32
    %sign3A_9 = arith.subi %sign3A_5, %sign3A_8 : i32
    %sign3A_10 = arith.constant 0 : i32
    %sign3A_11 = arith.cmpi sgt, %jit3A, %sign3A_10 : i32
    %sign3A_12 = arith.extui %sign3A_11 : i1 to i32
    %sign3A_13 = arith.constant 0 : i32
    %sign3A_14 = arith.cmpi slt, %jit3A, %sign3A_13 : i32
    %sign3A_15 = arith.extui %sign3A_14 : i1 to i32
    %sign3A_16 = arith.subi %sign3A_12, %sign3A_15 : i32
    %ne3A = arith.cmpi ne, %sign3A_9, %sign3A_16 : i32
    %rem3A = arith.remsi %mul3A_0, %jit3A : i32
    %ne3A_17 = arith.constant 0 : i32
    %ne3A_18 = arith.cmpi ne, %rem3A, %ne3A_17 : i32
    %and3A = arith.andi %ne3A, %ne3A_18 : i1
    %sub3A = arith.constant 1 : i32
    %sub3A_19 = arith.subi %div3A, %sub3A : i32
    %select_n3A = arith.select %and3A, %sub3A_19, %div3A : i32
    %dma_start3A_20 = arith.constant 0 : i32
    %dma_start3A_21 = arith.constant 0 : i32
    %dma_start3A_22 = arith.constant 0 : i32
    %dma_start3A_23 = tpu.memref_slice %arg4[%dma_start3A_20, %dma_start3A_21, %dma_start3A_22] : memref<2x1024x128xf32, #tpu.memory_space<vmem>> -> memref<1x1024x128xf32, #tpu.memory_space<vmem>>
    %dma_start3A_24 = tpu.memref_squeeze %dma_start3A_23 : memref<1x1024x128xf32, #tpu.memory_space<vmem>> -> memref<1024x128xf32, #tpu.memory_space<vmem>>
    %dma_start3A_25 = arith.constant 0 : i32
    %dma_start3A_26 = tpu.memref_slice %arg1[%select_n3A, %dma_start3A_25] : memref<65536x128xf32, #tpu.memory_space<hbm>> -> memref<1024x128xf32, #tpu.memory_space<hbm>>
    tpu.enqueue_dma source(%dma_start3A_26 : memref<1024x128xf32, #tpu.memory_space<hbm>>) target(%dma_start3A_24 : memref<1024x128xf32, #tpu.memory_space<vmem>>) target_semaphore(%arg8 : memref<!tpu.dma_semaphore, #tpu.memory_space<semaphore_mem>>)
    %mul3A_27 = arith.constant 16 : i32
    %mul3A_28 = arith.muli %arg0, %mul3A_27 : i32
    %dma_wait3A = arith.constant 0 : i32
    %dma_wait3A_29 = tpu.memref_slice %arg2[%mul3A_28, %dma_wait3A] : memref<256x32xf32, #tpu.memory_space<hbm>> -> memref<16x32xf32, #tpu.memory_space<hbm>>
    tpu.wait_dma2 semaphore(%arg9 : memref<!tpu.dma_semaphore, #tpu.memory_space<semaphore_mem>>) src(%dma_wait3A_29 : memref<16x32xf32, #tpu.memory_space<hbm>>) dst(%arg5 : memref<16x32xf32, #tpu.memory_space<vmem>>)
    %get3A = arith.constant 0 : index
    %get3A_30 = arith.constant 0 : index
    %get3A_31 = vector.load %arg5[%get3A, %get3A_30] : memref<16x32xf32, #tpu.memory_space<vmem>>, vector<16x32xf32>
    %add3A = arith.constant 4096 : i32
    %add3A_32 = arith.addi %mul3A_0, %add3A : i32
    %jit3A_33 = arith.constant 4 : i32
    %div3A_34 = arith.divsi %add3A_32, %jit3A_33 : i32
    %sign3A_35 = arith.constant 0 : i32
    %sign3A_36 = arith.cmpi sgt, %add3A_32, %sign3A_35 : i32
    %sign3A_37 = arith.extui %sign3A_36 : i1 to i32
    %sign3A_38 = arith.constant 0 : i32
    %sign3A_39 = arith.cmpi slt, %add3A_32, %sign3A_38 : i32
    %sign3A_40 = arith.extui %sign3A_39 : i1 to i32
    %sign3A_41 = arith.subi %sign3A_37, %sign3A_40 : i32
    %sign3A_42 = arith.constant 0 : i32
    %sign3A_43 = arith.cmpi sgt, %jit3A_33, %sign3A_42 : i32
    %sign3A_44 = arith.extui %sign3A_43 : i1 to i32
    %sign3A_45 = arith.constant 0 : i32
    %sign3A_46 = arith.cmpi slt, %jit3A_33, %sign3A_45 : i32
    %sign3A_47 = arith.extui %sign3A_46 : i1 to i32
    %sign3A_48 = arith.subi %sign3A_44, %sign3A_47 : i32
    %ne3A_49 = arith.cmpi ne, %sign3A_41, %sign3A_48 : i32
    %rem3A_50 = arith.remsi %add3A_32, %jit3A_33 : i32
    %ne3A_51 = arith.constant 0 : i32
    %ne3A_52 = arith.cmpi ne, %rem3A_50, %ne3A_51 : i32
    %and3A_53 = arith.andi %ne3A_49, %ne3A_52 : i1
    %sub3A_54 = arith.constant 1 : i32
    %sub3A_55 = arith.subi %div3A_34, %sub3A_54 : i32
    %select_n3A_56 = arith.select %and3A_53, %sub3A_55, %div3A_34 : i32
    %dma_start3A_57 = arith.constant 1 : i32
    %dma_start3A_58 = arith.constant 0 : i32
    %dma_start3A_59 = arith.constant 0 : i32
    %dma_start3A_60 = tpu.memref_slice %arg4[%dma_start3A_57, %dma_start3A_58, %dma_start3A_59] : memref<2x1024x128xf32, #tpu.memory_space<vmem>> -> memref<1x1024x128xf32, #tpu.memory_space<vmem>>
    %dma_start3A_61 = tpu.memref_squeeze %dma_start3A_60 : memref<1x1024x128xf32, #tpu.memory_space<vmem>> -> memref<1024x128xf32, #tpu.memory_space<vmem>>
    %dma_start3A_62 = arith.constant 0 : i32
    %dma_start3A_63 = tpu.memref_slice %arg1[%select_n3A_56, %dma_start3A_62] : memref<65536x128xf32, #tpu.memory_space<hbm>> -> memref<1024x128xf32, #tpu.memory_space<hbm>>
    tpu.enqueue_dma source(%dma_start3A_63 : memref<1024x128xf32, #tpu.memory_space<hbm>>) target(%dma_start3A_61 : memref<1024x128xf32, #tpu.memory_space<vmem>>) target_semaphore(%arg9 : memref<!tpu.dma_semaphore, #tpu.memory_space<semaphore_mem>>)
    %add3A_64 = arith.constant 0 : i32
    %add3A_65 = arith.addi %mul3A_0, %add3A_64 : i32
    %jit3A_66 = arith.constant 4 : i32
    %div3A_67 = arith.divsi %add3A_65, %jit3A_66 : i32
    %sign3A_68 = arith.constant 0 : i32
    %sign3A_69 = arith.cmpi sgt, %add3A_65, %sign3A_68 : i32
    %sign3A_70 = arith.extui %sign3A_69 : i1 to i32
    %sign3A_71 = arith.constant 0 : i32
    %sign3A_72 = arith.cmpi slt, %add3A_65, %sign3A_71 : i32
    %sign3A_73 = arith.extui %sign3A_72 : i1 to i32
    %sign3A_74 = arith.subi %sign3A_70, %sign3A_73 : i32
    %sign3A_75 = arith.constant 0 : i32
    %sign3A_76 = arith.cmpi sgt, %jit3A_66, %sign3A_75 : i32
    %sign3A_77 = arith.extui %sign3A_76 : i1 to i32
    %sign3A_78 = arith.constant 0 : i32
    %sign3A_79 = arith.cmpi slt, %jit3A_66, %sign3A_78 : i32
    %sign3A_80 = arith.extui %sign3A_79 : i1 to i32
    %sign3A_81 = arith.subi %sign3A_77, %sign3A_80 : i32
    %ne3A_82 = arith.cmpi ne, %sign3A_74, %sign3A_81 : i32
    %rem3A_83 = arith.remsi %add3A_65, %jit3A_66 : i32
    %ne3A_84 = arith.constant 0 : i32
    %ne3A_85 = arith.cmpi ne, %rem3A_83, %ne3A_84 : i32
    %and3A_86 = arith.andi %ne3A_82, %ne3A_85 : i1
    %sub3A_87 = arith.constant 1 : i32
    %sub3A_88 = arith.subi %div3A_67, %sub3A_87 : i32
    %select_n3A_89 = arith.select %and3A_86, %sub3A_88, %div3A_67 : i32
    %dma_wait3A_90 = arith.constant 0 : i32
    %dma_wait3A_91 = arith.constant 0 : i32
    %dma_wait3A_92 = arith.constant 0 : i32
    %dma_wait3A_93 = tpu.memref_slice %arg4[%dma_wait3A_90, %dma_wait3A_91, %dma_wait3A_92] : memref<2x1024x128xf32, #tpu.memory_space<vmem>> -> memref<1x1024x128xf32, #tpu.memory_space<vmem>>
    %dma_wait3A_94 = tpu.memref_squeeze %dma_wait3A_93 : memref<1x1024x128xf32, #tpu.memory_space<vmem>> -> memref<1024x128xf32, #tpu.memory_space<vmem>>
    %dma_wait3A_95 = arith.constant 0 : i32
    %dma_wait3A_96 = tpu.memref_slice %arg1[%select_n3A_89, %dma_wait3A_95] : memref<65536x128xf32, #tpu.memory_space<hbm>> -> memref<1024x128xf32, #tpu.memory_space<hbm>>
    tpu.wait_dma2 semaphore(%arg8 : memref<!tpu.dma_semaphore, #tpu.memory_space<semaphore_mem>>) src(%dma_wait3A_96 : memref<1024x128xf32, #tpu.memory_space<hbm>>) dst(%dma_wait3A_94 : memref<1024x128xf32, #tpu.memory_space<vmem>>)
    %get3A_97 = arith.constant 0 : index
    %get3A_98 = arith.constant 0 : index
    %get3A_99 = arith.constant 0 : index
    %get3A_100 = vector.load %arg4[%get3A_97, %get3A_98, %get3A_99] : memref<2x1024x128xf32, #tpu.memory_space<vmem>>, vector<1x1024x128xf32>
    %get3A_101 = vector.shape_cast %get3A_100 : vector<1x1024x128xf32> to vector<1024x128xf32>
    %slice3A = vector.extract_strided_slice %get3A_101 {offsets = [0, 0], sizes = [1024, 32], strides = [1, 1]} : vector<1024x128xf32> to vector<1024x32xf32>
    %dot_general3A = arith.constant dense<0.000000e+00> : vector<16x1024xf32>
    %dot_general3A_102 = tpu.matmul %get3A_31, %slice3A, %dot_general3A {dimension_numbers = #tpu.dot_dimension_numbers<[1], [1], [0], [0], [0, 0, 1, 0], [], []>, transpose_lhs_hint = false} : vector<16x32xf32>, vector<1024x32xf32>, vector<16x1024xf32> -> vector<16x1024xf32>
    %reshape3A = vector.shape_cast %dot_general3A_102 : vector<16x1024xf32> to vector<16x32x32xf32>
    %swap3A = arith.constant 0 : index
    %swap3A_103 = arith.constant 0 : index
    %swap3A_104 = arith.constant 0 : index
    %swap3A_105 = vector.load %arg6[%swap3A, %swap3A_103, %swap3A_104] : memref<16x32x128xf32, #tpu.memory_space<vmem>>, vector<16x32x32xf32>
    tpu.vector_store %arg6[%swap3A, %swap3A_103, %swap3A_104], %reshape3A {strides = array<i32>} : memref<16x32x128xf32, #tpu.memory_space<vmem>>, vector<16x32x32xf32>,
    %slice3A_106 = vector.extract_strided_slice %get3A_101 {offsets = [0, 32], sizes = [1024, 32], strides = [1, 1]} : vector<1024x128xf32> to vector<1024x32xf32>
    %dot_general3A_107 = arith.constant dense<0.000000e+00> : vector<16x1024xf32>
    %dot_general3A_108 = tpu.matmul %get3A_31, %slice3A_106, %dot_general3A_107 {dimension_numbers = #tpu.dot_dimension_numbers<[1], [1], [0], [0], [0, 0, 1, 0], [], []>, transpose_lhs_hint = false} : vector<16x32xf32>, vector<1024x32xf32>, vector<16x1024xf32> -> vector<16x1024xf32>
    %reshape3A_109 = vector.shape_cast %dot_general3A_108 : vector<16x1024xf32> to vector<16x32x32xf32>
    %swap3A_110 = arith.constant 0 : index
    %swap3A_111 = arith.constant 0 : index
    %swap3A_112 = arith.constant 32 : index
    %swap3A_113 = vector.load %arg6[%swap3A_110, %swap3A_111, %swap3A_112] : memref<16x32x128xf32, #tpu.memory_space<vmem>>, vector<16x32x32xf32>
    tpu.vector_store %arg6[%swap3A_110, %swap3A_111, %swap3A_112], %reshape3A_109 {strides = array<i32>} : memref<16x32x128xf32, #tpu.memory_space<vmem>>, vector<16x32x32xf32>,
    %slice3A_114 = vector.extract_strided_slice %get3A_101 {offsets = [0, 64], sizes = [1024, 32], strides = [1, 1]} : vector<1024x128xf32> to vector<1024x32xf32>
    %dot_general3A_115 = arith.constant dense<0.000000e+00> : vector<16x1024xf32>
    %dot_general3A_116 = tpu.matmul %get3A_31, %slice3A_114, %dot_general3A_115 {dimension_numbers = #tpu.dot_dimension_numbers<[1], [1], [0], [0], [0, 0, 1, 0], [], []>, transpose_lhs_hint = false} : vector<16x32xf32>, vector<1024x32xf32>, vector<16x1024xf32> -> vector<16x1024xf32>
    %reshape3A_117 = vector.shape_cast %dot_general3A_116 : vector<16x1024xf32> to vector<16x32x32xf32>
    %swap3A_118 = arith.constant 0 : index
    %swap3A_119 = arith.constant 0 : index
    %swap3A_120 = arith.constant 64 : index
    %swap3A_121 = vector.load %arg6[%swap3A_118, %swap3A_119, %swap3A_120] : memref<16x32x128xf32, #tpu.memory_space<vmem>>, vector<16x32x32xf32>
    tpu.vector_store %arg6[%swap3A_118, %swap3A_119, %swap3A_120], %reshape3A_117 {strides = array<i32>} : memref<16x32x128xf32, #tpu.memory_space<vmem>>, vector<16x32x32xf32>,
    %slice3A_122 = vector.extract_strided_slice %get3A_101 {offsets = [0, 96], sizes = [1024, 32], strides = [1, 1]} : vector<1024x128xf32> to vector<1024x32xf32>
    %dot_general3A_123 = arith.constant dense<0.000000e+00> : vector<16x1024xf32>
    %dot_general3A_124 = tpu.matmul %get3A_31, %slice3A_122, %dot_general3A_123 {dimension_numbers = #tpu.dot_dimension_numbers<[1], [1], [0], [0], [0, 0, 1, 0], [], []>, transpose_lhs_hint = false} : vector<16x32xf32>, vector<1024x32xf32>, vector<16x1024xf32> -> vector<16x1024xf32>
    %reshape3A_125 = vector.shape_cast %dot_general3A_124 : vector<16x1024xf32> to vector<16x32x32xf32>
    %swap3A_126 = arith.constant 0 : index
    %swap3A_127 = arith.constant 0 : index
    %swap3A_128 = arith.constant 96 : index
    %swap3A_129 = vector.load %arg6[%swap3A_126, %swap3A_127, %swap3A_128] : memref<16x32x128xf32, #tpu.memory_space<vmem>>, vector<16x32x32xf32>
    tpu.vector_store %arg6[%swap3A_126, %swap3A_127, %swap3A_128], %reshape3A_125 {strides = array<i32>} : memref<16x32x128xf32, #tpu.memory_space<vmem>>, vector<16x32x32xf32>,
    %get3A_130 = arith.constant 0 : index
    %get3A_131 = arith.constant 0 : index
    %get3A_132 = arith.constant 0 : index
    %get3A_133 = vector.load %arg6[%get3A_130, %get3A_131, %get3A_132] : memref<16x32x128xf32, #tpu.memory_space<vmem>>, vector<16x32x128xf32>
    %reduce_max3A = arith.constant dense<0xFF800000> : vector<16x128xf32>
    %reduce_max3A_134 = vector.multi_reduction <maximumf>, %get3A_133, %reduce_max3A [1] : vector<16x32x128xf32> to vector<16x128xf32>
    %broadcast_in_dim3A = vector.shape_cast %reduce_max3A_134 : vector<16x128xf32> to vector<16x1x128xf32>
    %sub3A_135 = vector.broadcast %broadcast_in_dim3A : vector<16x1x128xf32> to vector<16x32x128xf32>
    %sub3A_136 = arith.subf %get3A_133, %sub3A_135 : vector<16x32x128xf32>
    %exp3A = math.exp %sub3A_136 : vector<16x32x128xf32>
    %reduce_sum3A = arith.constant dense<0.000000e+00> : vector<16x128xf32>
    %reduce_sum3A_137 = vector.multi_reduction <add>, %exp3A, %reduce_sum3A [1] : vector<16x32x128xf32> to vector<16x128xf32>
    %broadcast_in_dim3A_138 = vector.shape_cast %reduce_sum3A_137 : vector<16x128xf32> to vector<16x1x128xf32>
    %div3A_139 = vector.broadcast %broadcast_in_dim3A_138 : vector<16x1x128xf32> to vector<16x32x128xf32>
    %div3A_140 = arith.divf %exp3A, %div3A_139 : vector<16x32x128xf32>
    %reduce_max3A_141 = arith.constant dense<0xFF800000> : vector<32x128xf32>
    %reduce_max3A_142 = vector.multi_reduction <maximumf>, %div3A_140, %reduce_max3A_141 [0] : vector<16x32x128xf32> to vector<32x128xf32>
    %reduce_sum3A_143 = arith.constant dense<0.000000e+00> : vector<128xf32>
    %reduce_sum3A_144 = vector.multi_reduction <add>, %reduce_max3A_142, %reduce_sum3A_143 [0] : vector<32x128xf32> to vector<128xf32>
    %swap3A_145 = arith.constant 0 : index
    %swap3A_146 = arith.constant 0 : index
    %swap3A_147 = vector.load %arg7[%swap3A_145, %swap3A_146] : memref<1x512xf32, #tpu.memory_space<vmem>>, vector<1x128xf32>
    %swap3A_148 = vector.shape_cast %swap3A_147 : vector<1x128xf32> to vector<128xf32>
    %swap3A_149 = vector.shape_cast %reduce_sum3A_144 : vector<128xf32> to vector<1x128xf32>
    tpu.vector_store %arg7[%swap3A_145, %swap3A_146], %swap3A_149 {strides = array<i32>} : memref<1x512xf32, #tpu.memory_space<vmem>>, vector<1x128xf32>,
    %add3A_150 = arith.constant 8192 : i32
    %add3A_151 = arith.addi %mul3A_0, %add3A_150 : i32
    %jit3A_152 = arith.constant 4 : i32
    %div3A_153 = arith.divsi %add3A_151, %jit3A_152 : i32
    %sign3A_154 = arith.constant 0 : i32
    %sign3A_155 = arith.cmpi sgt, %add3A_151, %sign3A_154 : i32
    %sign3A_156 = arith.extui %sign3A_155 : i1 to i32
    %sign3A_157 = arith.constant 0 : i32
    %sign3A_158 = arith.cmpi slt, %add3A_151, %sign3A_157 : i32
    %sign3A_159 = arith.extui %sign3A_158 : i1 to i32
    %sign3A_160 = arith.subi %sign3A_156, %sign3A_159 : i32
    %sign3A_161 = arith.constant 0 : i32
    %sign3A_162 = arith.cmpi sgt, %jit3A_152, %sign3A_161 : i32
    %sign3A_163 = arith.extui %sign3A_162 : i1 to i32
    %sign3A_164 = arith.constant 0 : i32
    %sign3A_165 = arith.cmpi slt, %jit3A_152, %sign3A_164 : i32
    %sign3A_166 = arith.extui %sign3A_165 : i1 to i32
    %sign3A_167 = arith.subi %sign3A_163, %sign3A_166 : i32
    %ne3A_168 = arith.cmpi ne, %sign3A_160, %sign3A_167 : i32
    %rem3A_169 = arith.remsi %add3A_151, %jit3A_152 : i32
    %ne3A_170 = arith.constant 0 : i32
    %ne3A_171 = arith.cmpi ne, %rem3A_169, %ne3A_170 : i32
    %and3A_172 = arith.andi %ne3A_168, %ne3A_171 : i1
    %sub3A_173 = arith.constant 1 : i32
    %sub3A_174 = arith.subi %div3A_153, %sub3A_173 : i32
    %select_n3A_175 = arith.select %and3A_172, %sub3A_174, %div3A_153 : i32
    %dma_start3A_176 = arith.constant 0 : i32
    %dma_start3A_177 = arith.constant 0 : i32
    %dma_start3A_178 = arith.constant 0 : i32
    %dma_start3A_179 = tpu.memref_slice %arg4[%dma_start3A_176, %dma_start3A_177, %dma_start3A_178] : memref<2x1024x128xf32, #tpu.memory_space<vmem>> -> memref<1x1024x128xf32, #tpu.memory_space<vmem>>
    %dma_start3A_180 = tpu.memref_squeeze %dma_start3A_179 : memref<1x1024x128xf32, #tpu.memory_space<vmem>> -> memref<1024x128xf32, #tpu.memory_space<vmem>>
    %dma_start3A_181 = arith.constant 0 : i32
    %dma_start3A_182 = tpu.memref_slice %arg1[%select_n3A_175, %dma_start3A_181] : memref<65536x128xf32, #tpu.memory_space<hbm>> -> memref<1024x128xf32, #tpu.memory_space<hbm>>
    tpu.enqueue_dma source(%dma_start3A_182 : memref<1024x128xf32, #tpu.memory_space<hbm>>) target(%dma_start3A_180 : memref<1024x128xf32, #tpu.memory_space<vmem>>) target_semaphore(%arg8 : memref<!tpu.dma_semaphore, #tpu.memory_space<semaphore_mem>>)
    %add3A_183 = arith.constant 4096 : i32
    %add3A_184 = arith.addi %mul3A_0, %add3A_183 : i32
    %jit3A_185 = arith.constant 4 : i32
    %div3A_186 = arith.divsi %add3A_184, %jit3A_185 : i32
    %sign3A_187 = arith.constant 0 : i32
    %sign3A_188 = arith.cmpi sgt, %add3A_184, %sign3A_187 : i32
    %sign3A_189 = arith.extui %sign3A_188 : i1 to i32
    %sign3A_190 = arith.constant 0 : i32
    %sign3A_191 = arith.cmpi slt, %add3A_184, %sign3A_190 : i32
    %sign3A_192 = arith.extui %sign3A_191 : i1 to i32
    %sign3A_193 = arith.subi %sign3A_189, %sign3A_192 : i32
    %sign3A_194 = arith.constant 0 : i32
    %sign3A_195 = arith.cmpi sgt, %jit3A_185, %sign3A_194 : i32
    %sign3A_196 = arith.extui %sign3A_195 : i1 to i32
    %sign3A_197 = arith.constant 0 : i32
    %sign3A_198 = arith.cmpi slt, %jit3A_185, %sign3A_197 : i32
    %sign3A_199 = arith.extui %sign3A_198 : i1 to i32
    %sign3A_200 = arith.subi %sign3A_196, %sign3A_199 : i32
    %ne3A_201 = arith.cmpi ne, %sign3A_193, %sign3A_200 : i32
    %rem3A_202 = arith.remsi %add3A_184, %jit3A_185 : i32
    %ne3A_203 = arith.constant 0 : i32
    %ne3A_204 = arith.cmpi ne, %rem3A_202, %ne3A_203 : i32
    %and3A_205 = arith.andi %ne3A_201, %ne3A_204 : i1
    %sub3A_206 = arith.constant 1 : i32
    %sub3A_207 = arith.subi %div3A_186, %sub3A_206 : i32
    %select_n3A_208 = arith.select %and3A_205, %sub3A_207, %div3A_186 : i32
    %dma_wait3A_209 = arith.constant 1 : i32
    %dma_wait3A_210 = arith.constant 0 : i32
    %dma_wait3A_211 = arith.constant 0 : i32
    %dma_wait3A_212 = tpu.memref_slice %arg4[%dma_wait3A_209, %dma_wait3A_210, %dma_wait3A_211] : memref<2x1024x128xf32, #tpu.memory_space<vmem>> -> memref<1x1024x128xf32, #tpu.memory_space<vmem>>
    %dma_wait3A_213 = tpu.memref_squeeze %dma_wait3A_212 : memref<1x1024x128xf32, #tpu.memory_space<vmem>> -> memref<1024x128xf32, #tpu.memory_space<vmem>>
    %dma_wait3A_214 = arith.constant 0 : i32
    %dma_wait3A_215 = tpu.memref_slice %arg1[%select_n3A_208, %dma_wait3A_214] : memref<65536x128xf32, #tpu.memory_space<hbm>> -> memref<1024x128xf32, #tpu.memory_space<hbm>>
    tpu.wait_dma2 semaphore(%arg9 : memref<!tpu.dma_semaphore, #tpu.memory_space<semaphore_mem>>) src(%dma_wait3A_215 : memref<1024x128xf32, #tpu.memory_space<hbm>>) dst(%dma_wait3A_213 : memref<1024x128xf32, #tpu.memory_space<vmem>>)
    %get3A_216 = arith.constant 1 : index
    %get3A_217 = arith.constant 0 : index
    %get3A_218 = arith.constant 0 : index
    %get3A_219 = vector.load %arg4[%get3A_216, %get3A_217, %get3A_218] : memref<2x1024x128xf32, #tpu.memory_space<vmem>>, vector<1x1024x128xf32>
    %get3A_220 = vector.shape_cast %get3A_219 : vector<1x1024x128xf32> to vector<1024x128xf32>
    %slice3A_221 = vector.extract_strided_slice %get3A_220 {offsets = [0, 0], sizes = [1024, 32], strides = [1, 1]} : vector<1024x128xf32> to vector<1024x32xf32>
    %dot_general3A_222 = arith.constant dense<0.000000e+00> : vector<16x1024xf32>
    %dot_general3A_223 = tpu.matmul %get3A_31, %slice3A_221, %dot_general3A_222 {dimension_numbers = #tpu.dot_dimension_numbers<[1], [1], [0], [0], [0, 0, 1, 0], [], []>, transpose_lhs_hint = false} : vector<16x32xf32>, vector<1024x32xf32>, vector<16x1024xf32> -> vector<16x1024xf32>
    %reshape3A_224 = vector.shape_cast %dot_general3A_223 : vector<16x1024xf32> to vector<16x32x32xf32>
    %swap3A_225 = arith.constant 0 : index
    %swap3A_226 = arith.constant 0 : index
    %swap3A_227 = arith.constant 0 : index
    %swap3A_228 = vector.load %arg6[%swap3A_225, %swap3A_226, %swap3A_227] : memref<16x32x128xf32, #tpu.memory_space<vmem>>, vector<16x32x32xf32>
    tpu.vector_store %arg6[%swap3A_225, %swap3A_226, %swap3A_227], %reshape3A_224 {strides = array<i32>} : memref<16x32x128xf32, #tpu.memory_space<vmem>>, vector<16x32x32xf32>,
    %slice3A_229 = vector.extract_strided_slice %get3A_220 {offsets = [0, 32], sizes = [1024, 32], strides = [1, 1]} : vector<1024x128xf32> to vector<1024x32xf32>
    %dot_general3A_230 = arith.constant dense<0.000000e+00> : vector<16x1024xf32>
    %dot_general3A_231 = tpu.matmul %get3A_31, %slice3A_229, %dot_general3A_230 {dimension_numbers = #tpu.dot_dimension_numbers<[1], [1], [0], [0], [0, 0, 1, 0], [], []>, transpose_lhs_hint = false} : vector<16x32xf32>, vector<1024x32xf32>, vector<16x1024xf32> -> vector<16x1024xf32>
    %reshape3A_232 = vector.shape_cast %dot_general3A_231 : vector<16x1024xf32> to vector<16x32x32xf32>
    %swap3A_233 = arith.constant 0 : index
    %swap3A_234 = arith.constant 0 : index
    %swap3A_235 = arith.constant 32 : index
    %swap3A_236 = vector.load %arg6[%swap3A_233, %swap3A_234, %swap3A_235] : memref<16x32x128xf32, #tpu.memory_space<vmem>>, vector<16x32x32xf32>
    tpu.vector_store %arg6[%swap3A_233, %swap3A_234, %swap3A_235], %reshape3A_232 {strides = array<i32>} : memref<16x32x128xf32, #tpu.memory_space<vmem>>, vector<16x32x32xf32>,
    %slice3A_237 = vector.extract_strided_slice %get3A_220 {offsets = [0, 64], sizes = [1024, 32], strides = [1, 1]} : vector<1024x128xf32> to vector<1024x32xf32>
    %dot_general3A_238 = arith.constant dense<0.000000e+00> : vector<16x1024xf32>
    %dot_general3A_239 = tpu.matmul %get3A_31, %slice3A_237, %dot_general3A_238 {dimension_numbers = #tpu.dot_dimension_numbers<[1], [1], [0], [0], [0, 0, 1, 0], [], []>, transpose_lhs_hint = false} : vector<16x32xf32>, vector<1024x32xf32>, vector<16x1024xf32> -> vector<16x1024xf32>
    %reshape3A_240 = vector.shape_cast %dot_general3A_239 : vector<16x1024xf32> to vector<16x32x32xf32>
    %swap3A_241 = arith.constant 0 : index
    %swap3A_242 = arith.constant 0 : index
    %swap3A_243 = arith.constant 64 : index
    %swap3A_244 = vector.load %arg6[%swap3A_241, %swap3A_242, %swap3A_243] : memref<16x32x128xf32, #tpu.memory_space<vmem>>, vector<16x32x32xf32>
    tpu.vector_store %arg6[%swap3A_241, %swap3A_242, %swap3A_243], %reshape3A_240 {strides = array<i32>} : memref<16x32x128xf32, #tpu.memory_space<vmem>>, vector<16x32x32xf32>,
    %slice3A_245 = vector.extract_strided_slice %get3A_220 {offsets = [0, 96], sizes = [1024, 32], strides = [1, 1]} : vector<1024x128xf32> to vector<1024x32xf32>
    %dot_general3A_246 = arith.constant dense<0.000000e+00> : vector<16x1024xf32>
    %dot_general3A_247 = tpu.matmul %get3A_31, %slice3A_245, %dot_general3A_246 {dimension_numbers = #tpu.dot_dimension_numbers<[1], [1], [0], [0], [0, 0, 1, 0], [], []>, transpose_lhs_hint = false} : vector<16x32xf32>, vector<1024x32xf32>, vector<16x1024xf32> -> vector<16x1024xf32>
    %reshape3A_248 = vector.shape_cast %dot_general3A_247 : vector<16x1024xf32> to vector<16x32x32xf32>
    %swap3A_249 = arith.constant 0 : index
    %swap3A_250 = arith.constant 0 : index
    %swap3A_251 = arith.constant 96 : index
    %swap3A_252 = vector.load %arg6[%swap3A_249, %swap3A_250, %swap3A_251] : memref<16x32x128xf32, #tpu.memory_space<vmem>>, vector<16x32x32xf32>
    tpu.vector_store %arg6[%swap3A_249, %swap3A_250, %swap3A_251], %reshape3A_248 {strides = array<i32>} : memref<16x32x128xf32, #tpu.memory_space<vmem>>, vector<16x32x32xf32>,
    %get3A_253 = arith.constant 0 : index
    %get3A_254 = arith.constant 0 : index
    %get3A_255 = arith.constant 0 : index
    %get3A_256 = vector.load %arg6[%get3A_253, %get3A_254, %get3A_255] : memref<16x32x128xf32, #tpu.memory_space<vmem>>, vector<16x32x128xf32>
    %reduce_max3A_257 = arith.constant dense<0xFF800000> : vector<16x128xf32>
    %reduce_max3A_258 = vector.multi_reduction <maximumf>, %get3A_256, %reduce_max3A_257 [1] : vector<16x32x128xf32> to vector<16x128xf32>
    %broadcast_in_dim3A_259 = vector.shape_cast %reduce_max3A_258 : vector<16x128xf32> to vector<16x1x128xf32>
    %sub3A_260 = vector.broadcast %broadcast_in_dim3A_259 : vector<16x1x128xf32> to vector<16x32x128xf32>
    %sub3A_261 = arith.subf %get3A_256, %sub3A_260 : vector<16x32x128xf32>
    %exp3A_262 = math.exp %sub3A_261 : vector<16x32x128xf32>
    %reduce_sum3A_263 = arith.constant dense<0.000000e+00> : vector<16x128xf32>
    %reduce_sum3A_264 = vector.multi_reduction <add>, %exp3A_262, %reduce_sum3A_263 [1] : vector<16x32x128xf32> to vector<16x128xf32>
    %broadcast_in_dim3A_265 = vector.shape_cast %reduce_sum3A_264 : vector<16x128xf32> to vector<16x1x128xf32>
    %div3A_266 = vector.broadcast %broadcast_in_dim3A_265 : vector<16x1x128xf32> to vector<16x32x128xf32>
    %div3A_267 = arith.divf %exp3A_262, %div3A_266 : vector<16x32x128xf32>
    %reduce_max3A_268 = arith.constant dense<0xFF800000> : vector<32x128xf32>
    %reduce_max3A_269 = vector.multi_reduction <maximumf>, %div3A_267, %reduce_max3A_268 [0] : vector<16x32x128xf32> to vector<32x128xf32>
    %reduce_sum3A_270 = arith.constant dense<0.000000e+00> : vector<128xf32>
    %reduce_sum3A_271 = vector.multi_reduction <add>, %reduce_max3A_269, %reduce_sum3A_270 [0] : vector<32x128xf32> to vector<128xf32>
    %swap3A_272 = arith.constant 0 : index
    %swap3A_273 = arith.constant 128 : index
    %swap3A_274 = vector.load %arg7[%swap3A_272, %swap3A_273] : memref<1x512xf32, #tpu.memory_space<vmem>>, vector<1x128xf32>
    %swap3A_275 = vector.shape_cast %swap3A_274 : vector<1x128xf32> to vector<128xf32>
    %swap3A_276 = vector.shape_cast %reduce_sum3A_271 : vector<128xf32> to vector<1x128xf32>
    tpu.vector_store %arg7[%swap3A_272, %swap3A_273], %swap3A_276 {strides = array<i32>} : memref<1x512xf32, #tpu.memory_space<vmem>>, vector<1x128xf32>,
    %add3A_277 = arith.constant 12288 : i32
    %add3A_278 = arith.addi %mul3A_0, %add3A_277 : i32
    %jit3A_279 = arith.constant 4 : i32
    %div3A_280 = arith.divsi %add3A_278, %jit3A_279 : i32
    %sign3A_281 = arith.constant 0 : i32
    %sign3A_282 = arith.cmpi sgt, %add3A_278, %sign3A_281 : i32
    %sign3A_283 = arith.extui %sign3A_282 : i1 to i32
    %sign3A_284 = arith.constant 0 : i32
    %sign3A_285 = arith.cmpi slt, %add3A_278, %sign3A_284 : i32
    %sign3A_286 = arith.extui %sign3A_285 : i1 to i32
    %sign3A_287 = arith.subi %sign3A_283, %sign3A_286 : i32
    %sign3A_288 = arith.constant 0 : i32
    %sign3A_289 = arith.cmpi sgt, %jit3A_279, %sign3A_288 : i32
    %sign3A_290 = arith.extui %sign3A_289 : i1 to i32
    %sign3A_291 = arith.constant 0 : i32
    %sign3A_292 = arith.cmpi slt, %jit3A_279, %sign3A_291 : i32
    %sign3A_293 = arith.extui %sign3A_292 : i1 to i32
    %sign3A_294 = arith.subi %sign3A_290, %sign3A_293 : i32
    %ne3A_295 = arith.cmpi ne, %sign3A_287, %sign3A_294 : i32
    %rem3A_296 = arith.remsi %add3A_278, %jit3A_279 : i32
    %ne3A_297 = arith.constant 0 : i32
    %ne3A_298 = arith.cmpi ne, %rem3A_296, %ne3A_297 : i32
    %and3A_299 = arith.andi %ne3A_295, %ne3A_298 : i1
    %sub3A_300 = arith.constant 1 : i32
    %sub3A_301 = arith.subi %div3A_280, %sub3A_300 : i32
    %select_n3A_302 = arith.select %and3A_299, %sub3A_301, %div3A_280 : i32
    %dma_start3A_303 = arith.constant 1 : i32
    %dma_start3A_304 = arith.constant 0 : i32
    %dma_start3A_305 = arith.constant 0 : i32
    %dma_start3A_306 = tpu.memref_slice %arg4[%dma_start3A_303, %dma_start3A_304, %dma_start3A_305] : memref<2x1024x128xf32, #tpu.memory_space<vmem>> -> memref<1x1024x128xf32, #tpu.memory_space<vmem>>
    %dma_start3A_307 = tpu.memref_squeeze %dma_start3A_306 : memref<1x1024x128xf32, #tpu.memory_space<vmem>> -> memref<1024x128xf32, #tpu.memory_space<vmem>>
    %dma_start3A_308 = arith.constant 0 : i32
    %dma_start3A_309 = tpu.memref_slice %arg1[%select_n3A_302, %dma_start3A_308] : memref<65536x128xf32, #tpu.memory_space<hbm>> -> memref<1024x128xf32, #tpu.memory_space<hbm>>
    tpu.enqueue_dma source(%dma_start3A_309 : memref<1024x128xf32, #tpu.memory_space<hbm>>) target(%dma_start3A_307 : memref<1024x128xf32, #tpu.memory_space<vmem>>) target_semaphore(%arg9 : memref<!tpu.dma_semaphore, #tpu.memory_space<semaphore_mem>>)
    %add3A_310 = arith.constant 8192 : i32
    %add3A_311 = arith.addi %mul3A_0, %add3A_310 : i32
    %jit3A_312 = arith.constant 4 : i32
    %div3A_313 = arith.divsi %add3A_311, %jit3A_312 : i32
    %sign3A_314 = arith.constant 0 : i32
    %sign3A_315 = arith.cmpi sgt, %add3A_311, %sign3A_314 : i32
    %sign3A_316 = arith.extui %sign3A_315 : i1 to i32
    %sign3A_317 = arith.constant 0 : i32
    %sign3A_318 = arith.cmpi slt, %add3A_311, %sign3A_317 : i32
    %sign3A_319 = arith.extui %sign3A_318 : i1 to i32
    %sign3A_320 = arith.subi %sign3A_316, %sign3A_319 : i32
    %sign3A_321 = arith.constant 0 : i32
    %sign3A_322 = arith.cmpi sgt, %jit3A_312, %sign3A_321 : i32
    %sign3A_323 = arith.extui %sign3A_322 : i1 to i32
    %sign3A_324 = arith.constant 0 : i32
    %sign3A_325 = arith.cmpi slt, %jit3A_312, %sign3A_324 : i32
    %sign3A_326 = arith.extui %sign3A_325 : i1 to i32
    %sign3A_327 = arith.subi %sign3A_323, %sign3A_326 : i32
    %ne3A_328 = arith.cmpi ne, %sign3A_320, %sign3A_327 : i32
    %rem3A_329 = arith.remsi %add3A_311, %jit3A_312 : i32
    %ne3A_330 = arith.constant 0 : i32
    %ne3A_331 = arith.cmpi ne, %rem3A_329, %ne3A_330 : i32
    %and3A_332 = arith.andi %ne3A_328, %ne3A_331 : i1
    %sub3A_333 = arith.constant 1 : i32
    %sub3A_334 = arith.subi %div3A_313, %sub3A_333 : i32
    %select_n3A_335 = arith.select %and3A_332, %sub3A_334, %div3A_313 : i32
    %dma_wait3A_336 = arith.constant 0 : i32
    %dma_wait3A_337 = arith.constant 0 : i32
    %dma_wait3A_338 = arith.constant 0 : i32
    %dma_wait3A_339 = tpu.memref_slice %arg4[%dma_wait3A_336, %dma_wait3A_337, %dma_wait3A_338] : memref<2x1024x128xf32, #tpu.memory_space<vmem>> -> memref<1x1024x128xf32, #tpu.memory_space<vmem>>
    %dma_wait3A_340 = tpu.memref_squeeze %dma_wait3A_339 : memref<1x1024x128xf32, #tpu.memory_space<vmem>> -> memref<1024x128xf32, #tpu.memory_space<vmem>>
    %dma_wait3A_341 = arith.constant 0 : i32
    %dma_wait3A_342 = tpu.memref_slice %arg1[%select_n3A_335, %dma_wait3A_341] : memref<65536x128xf32, #tpu.memory_space<hbm>> -> memref<1024x128xf32, #tpu.memory_space<hbm>>
    tpu.wait_dma2 semaphore(%arg8 : memref<!tpu.dma_semaphore, #tpu.memory_space<semaphore_mem>>) src(%dma_wait3A_342 : memref<1024x128xf32, #tpu.memory_space<hbm>>) dst(%dma_wait3A_340 : memref<1024x128xf32, #tpu.memory_space<vmem>>)
    %get3A_343 = arith.constant 0 : index
    %get3A_344 = arith.constant 0 : index
    %get3A_345 = arith.constant 0 : index
    %get3A_346 = vector.load %arg4[%get3A_343, %get3A_344, %get3A_345] : memref<2x1024x128xf32, #tpu.memory_space<vmem>>, vector<1x1024x128xf32>
    %get3A_347 = vector.shape_cast %get3A_346 : vector<1x1024x128xf32> to vector<1024x128xf32>
    %slice3A_348 = vector.extract_strided_slice %get3A_347 {offsets = [0, 0], sizes = [1024, 32], strides = [1, 1]} : vector<1024x128xf32> to vector<1024x32xf32>
    %dot_general3A_349 = arith.constant dense<0.000000e+00> : vector<16x1024xf32>
    %dot_general3A_350 = tpu.matmul %get3A_31, %slice3A_348, %dot_general3A_349 {dimension_numbers = #tpu.dot_dimension_numbers<[1], [1], [0], [0], [0, 0, 1, 0], [], []>, transpose_lhs_hint = false} : vector<16x32xf32>, vector<1024x32xf32>, vector<16x1024xf32> -> vector<16x1024xf32>
    %reshape3A_351 = vector.shape_cast %dot_general3A_350 : vector<16x1024xf32> to vector<16x32x32xf32>
    %swap3A_352 = arith.constant 0 : index
    %swap3A_353 = arith.constant 0 : index
    %swap3A_354 = arith.constant 0 : index
    %swap3A_355 = vector.load %arg6[%swap3A_352, %swap3A_353, %swap3A_354] : memref<16x32x128xf32, #tpu.memory_space<vmem>>, vector<16x32x32xf32>
    tpu.vector_store %arg6[%swap3A_352, %swap3A_353, %swap3A_354], %reshape3A_351 {strides = array<i32>} : memref<16x32x128xf32, #tpu.memory_space<vmem>>, vector<16x32x32xf32>,
    %slice3A_356 = vector.extract_strided_slice %get3A_347 {offsets = [0, 32], sizes = [1024, 32], strides = [1, 1]} : vector<1024x128xf32> to vector<1024x32xf32>
    %dot_general3A_357 = arith.constant dense<0.000000e+00> : vector<16x1024xf32>
    %dot_general3A_358 = tpu.matmul %get3A_31, %slice3A_356, %dot_general3A_357 {dimension_numbers = #tpu.dot_dimension_numbers<[1], [1], [0], [0], [0, 0, 1, 0], [], []>, transpose_lhs_hint = false} : vector<16x32xf32>, vector<1024x32xf32>, vector<16x1024xf32> -> vector<16x1024xf32>
    %reshape3A_359 = vector.shape_cast %dot_general3A_358 : vector<16x1024xf32> to vector<16x32x32xf32>
    %swap3A_360 = arith.constant 0 : index
    %swap3A_361 = arith.constant 0 : index
    %swap3A_362 = arith.constant 32 : index
    %swap3A_363 = vector.load %arg6[%swap3A_360, %swap3A_361, %swap3A_362] : memref<16x32x128xf32, #tpu.memory_space<vmem>>, vector<16x32x32xf32>
    tpu.vector_store %arg6[%swap3A_360, %swap3A_361, %swap3A_362], %reshape3A_359 {strides = array<i32>} : memref<16x32x128xf32, #tpu.memory_space<vmem>>, vector<16x32x32xf32>,
    %slice3A_364 = vector.extract_strided_slice %get3A_347 {offsets = [0, 64], sizes = [1024, 32], strides = [1, 1]} : vector<1024x128xf32> to vector<1024x32xf32>
    %dot_general3A_365 = arith.constant dense<0.000000e+00> : vector<16x1024xf32>
    %dot_general3A_366 = tpu.matmul %get3A_31, %slice3A_364, %dot_general3A_365 {dimension_numbers = #tpu.dot_dimension_numbers<[1], [1], [0], [0], [0, 0, 1, 0], [], []>, transpose_lhs_hint = false} : vector<16x32xf32>, vector<1024x32xf32>, vector<16x1024xf32> -> vector<16x1024xf32>
    %reshape3A_367 = vector.shape_cast %dot_general3A_366 : vector<16x1024xf32> to vector<16x32x32xf32>
    %swap3A_368 = arith.constant 0 : index
    %swap3A_369 = arith.constant 0 : index
    %swap3A_370 = arith.constant 64 : index
    %swap3A_371 = vector.load %arg6[%swap3A_368, %swap3A_369, %swap3A_370] : memref<16x32x128xf32, #tpu.memory_space<vmem>>, vector<16x32x32xf32>
    tpu.vector_store %arg6[%swap3A_368, %swap3A_369, %swap3A_370], %reshape3A_367 {strides = array<i32>} : memref<16x32x128xf32, #tpu.memory_space<vmem>>, vector<16x32x32xf32>,
    %slice3A_372 = vector.extract_strided_slice %get3A_347 {offsets = [0, 96], sizes = [1024, 32], strides = [1, 1]} : vector<1024x128xf32> to vector<1024x32xf32>
    %dot_general3A_373 = arith.constant dense<0.000000e+00> : vector<16x1024xf32>
    %dot_general3A_374 = tpu.matmul %get3A_31, %slice3A_372, %dot_general3A_373 {dimension_numbers = #tpu.dot_dimension_numbers<[1], [1], [0], [0], [0, 0, 1, 0], [], []>, transpose_lhs_hint = false} : vector<16x32xf32>, vector<1024x32xf32>, vector<16x1024xf32> -> vector<16x1024xf32>
    %reshape3A_375 = vector.shape_cast %dot_general3A_374 : vector<16x1024xf32> to vector<16x32x32xf32>
    %swap3A_376 = arith.constant 0 : index
    %swap3A_377 = arith.constant 0 : index
    %swap3A_378 = arith.constant 96 : index
    %swap3A_379 = vector.load %arg6[%swap3A_376, %swap3A_377, %swap3A_378] : memref<16x32x128xf32, #tpu.memory_space<vmem>>, vector<16x32x32xf32>
    tpu.vector_store %arg6[%swap3A_376, %swap3A_377, %swap3A_378], %reshape3A_375 {strides = array<i32>} : memref<16x32x128xf32, #tpu.memory_space<vmem>>, vector<16x32x32xf32>,
    %get3A_380 = arith.constant 0 : index
    %get3A_381 = arith.constant 0 : index
    %get3A_382 = arith.constant 0 : index
    %get3A_383 = vector.load %arg6[%get3A_380, %get3A_381, %get3A_382] : memref<16x32x128xf32, #tpu.memory_space<vmem>>, vector<16x32x128xf32>
    %reduce_max3A_384 = arith.constant dense<0xFF800000> : vector<16x128xf32>
    %reduce_max3A_385 = vector.multi_reduction <maximumf>, %get3A_383, %reduce_max3A_384 [1] : vector<16x32x128xf32> to vector<16x128xf32>
    %broadcast_in_dim3A_386 = vector.shape_cast %reduce_max3A_385 : vector<16x128xf32> to vector<16x1x128xf32>
    %sub3A_387 = vector.broadcast %broadcast_in_dim3A_386 : vector<16x1x128xf32> to vector<16x32x128xf32>
    %sub3A_388 = arith.subf %get3A_383, %sub3A_387 : vector<16x32x128xf32>
    %exp3A_389 = math.exp %sub3A_388 : vector<16x32x128xf32>
    %reduce_sum3A_390 = arith.constant dense<0.000000e+00> : vector<16x128xf32>
    %reduce_sum3A_391 = vector.multi_reduction <add>, %exp3A_389, %reduce_sum3A_390 [1] : vector<16x32x128xf32> to vector<16x128xf32>
    %broadcast_in_dim3A_392 = vector.shape_cast %reduce_sum3A_391 : vector<16x128xf32> to vector<16x1x128xf32>
    %div3A_393 = vector.broadcast %broadcast_in_dim3A_392 : vector<16x1x128xf32> to vector<16x32x128xf32>
    %div3A_394 = arith.divf %exp3A_389, %div3A_393 : vector<16x32x128xf32>
    %reduce_max3A_395 = arith.constant dense<0xFF800000> : vector<32x128xf32>
    %reduce_max3A_396 = vector.multi_reduction <maximumf>, %div3A_394, %reduce_max3A_395 [0] : vector<16x32x128xf32> to vector<32x128xf32>
    %reduce_sum3A_397 = arith.constant dense<0.000000e+00> : vector<128xf32>
    %reduce_sum3A_398 = vector.multi_reduction <add>, %reduce_max3A_396, %reduce_sum3A_397 [0] : vector<32x128xf32> to vector<128xf32>
    %swap3A_399 = arith.constant 0 : index
    %swap3A_400 = arith.constant 256 : index
    %swap3A_401 = vector.load %arg7[%swap3A_399, %swap3A_400] : memref<1x512xf32, #tpu.memory_space<vmem>>, vector<1x128xf32>
    %swap3A_402 = vector.shape_cast %swap3A_401 : vector<1x128xf32> to vector<128xf32>
    %swap3A_403 = vector.shape_cast %reduce_sum3A_398 : vector<128xf32> to vector<1x128xf32>
    tpu.vector_store %arg7[%swap3A_399, %swap3A_400], %swap3A_403 {strides = array<i32>} : memref<1x512xf32, #tpu.memory_space<vmem>>, vector<1x128xf32>,
    %add3A_404 = arith.constant 12288 : i32
    %add3A_405 = arith.addi %mul3A_0, %add3A_404 : i32
    %jit3A_406 = arith.constant 4 : i32
    %div3A_407 = arith.divsi %add3A_405, %jit3A_406 : i32
    %sign3A_408 = arith.constant 0 : i32
    %sign3A_409 = arith.cmpi sgt, %add3A_405, %sign3A_408 : i32
    %sign3A_410 = arith.extui %sign3A_409 : i1 to i32
    %sign3A_411 = arith.constant 0 : i32
    %sign3A_412 = arith.cmpi slt, %add3A_405, %sign3A_411 : i32
    %sign3A_413 = arith.extui %sign3A_412 : i1 to i32
    %sign3A_414 = arith.subi %sign3A_410, %sign3A_413 : i32
    %sign3A_415 = arith.constant 0 : i32
    %sign3A_416 = arith.cmpi sgt, %jit3A_406, %sign3A_415 : i32
    %sign3A_417 = arith.extui %sign3A_416 : i1 to i32
    %sign3A_418 = arith.constant 0 : i32
    %sign3A_419 = arith.cmpi slt, %jit3A_406, %sign3A_418 : i32
    %sign3A_420 = arith.extui %sign3A_419 : i1 to i32
    %sign3A_421 = arith.subi %sign3A_417, %sign3A_420 : i32
    %ne3A_422 = arith.cmpi ne, %sign3A_414, %sign3A_421 : i32
    %rem3A_423 = arith.remsi %add3A_405, %jit3A_406 : i32
    %ne3A_424 = arith.constant 0 : i32
    %ne3A_425 = arith.cmpi ne, %rem3A_423, %ne3A_424 : i32
    %and3A_426 = arith.andi %ne3A_422, %ne3A_425 : i1
    %sub3A_427 = arith.constant 1 : i32
    %sub3A_428 = arith.subi %div3A_407, %sub3A_427 : i32
    %select_n3A_429 = arith.select %and3A_426, %sub3A_428, %div3A_407 : i32
    %dma_wait3A_430 = arith.constant 1 : i32
    %dma_wait3A_431 = arith.constant 0 : i32
    %dma_wait3A_432 = arith.constant 0 : i32
    %dma_wait3A_433 = tpu.memref_slice %arg4[%dma_wait3A_430, %dma_wait3A_431, %dma_wait3A_432] : memref<2x1024x128xf32, #tpu.memory_space<vmem>> -> memref<1x1024x128xf32, #tpu.memory_space<vmem>>
    %dma_wait3A_434 = tpu.memref_squeeze %dma_wait3A_433 : memref<1x1024x128xf32, #tpu.memory_space<vmem>> -> memref<1024x128xf32, #tpu.memory_space<vmem>>
    %dma_wait3A_435 = arith.constant 0 : i32
    %dma_wait3A_436 = tpu.memref_slice %arg1[%select_n3A_429, %dma_wait3A_435] : memref<65536x128xf32, #tpu.memory_space<hbm>> -> memref<1024x128xf32, #tpu.memory_space<hbm>>
    tpu.wait_dma2 semaphore(%arg9 : memref<!tpu.dma_semaphore, #tpu.memory_space<semaphore_mem>>) src(%dma_wait3A_436 : memref<1024x128xf32, #tpu.memory_space<hbm>>) dst(%dma_wait3A_434 : memref<1024x128xf32, #tpu.memory_space<vmem>>)
    %get3A_437 = arith.constant 1 : index
    %get3A_438 = arith.constant 0 : index
    %get3A_439 = arith.constant 0 : index
    %get3A_440 = vector.load %arg4[%get3A_437, %get3A_438, %get3A_439] : memref<2x1024x128xf32, #tpu.memory_space<vmem>>, vector<1x1024x128xf32>
    %get3A_441 = vector.shape_cast %get3A_440 : vector<1x1024x128xf32> to vector<1024x128xf32>
    %slice3A_442 = vector.extract_strided_slice %get3A_441 {offsets = [0, 0], sizes = [1024, 32], strides = [1, 1]} : vector<1024x128xf32> to vector<1024x32xf32>
    %dot_general3A_443 = arith.constant dense<0.000000e+00> : vector<16x1024xf32>
    %dot_general3A_444 = tpu.matmul %get3A_31, %slice3A_442, %dot_general3A_443 {dimension_numbers = #tpu.dot_dimension_numbers<[1], [1], [0], [0], [0, 0, 1, 0], [], []>, transpose_lhs_hint = false} : vector<16x32xf32>, vector<1024x32xf32>, vector<16x1024xf32> -> vector<16x1024xf32>
    %reshape3A_445 = vector.shape_cast %dot_general3A_444 : vector<16x1024xf32> to vector<16x32x32xf32>
    %swap3A_446 = arith.constant 0 : index
    %swap3A_447 = arith.constant 0 : index
    %swap3A_448 = arith.constant 0 : index
    %swap3A_449 = vector.load %arg6[%swap3A_446, %swap3A_447, %swap3A_448] : memref<16x32x128xf32, #tpu.memory_space<vmem>>, vector<16x32x32xf32>
    tpu.vector_store %arg6[%swap3A_446, %swap3A_447, %swap3A_448], %reshape3A_445 {strides = array<i32>} : memref<16x32x128xf32, #tpu.memory_space<vmem>>, vector<16x32x32xf32>,
    %slice3A_450 = vector.extract_strided_slice %get3A_441 {offsets = [0, 32], sizes = [1024, 32], strides = [1, 1]} : vector<1024x128xf32> to vector<1024x32xf32>
    %dot_general3A_451 = arith.constant dense<0.000000e+00> : vector<16x1024xf32>
    %dot_general3A_452 = tpu.matmul %get3A_31, %slice3A_450, %dot_general3A_451 {dimension_numbers = #tpu.dot_dimension_numbers<[1], [1], [0], [0], [0, 0, 1, 0], [], []>, transpose_lhs_hint = false} : vector<16x32xf32>, vector<1024x32xf32>, vector<16x1024xf32> -> vector<16x1024xf32>
    %reshape3A_453 = vector.shape_cast %dot_general3A_452 : vector<16x1024xf32> to vector<16x32x32xf32>
    %swap3A_454 = arith.constant 0 : index
    %swap3A_455 = arith.constant 0 : index
    %swap3A_456 = arith.constant 32 : index
    %swap3A_457 = vector.load %arg6[%swap3A_454, %swap3A_455, %swap3A_456] : memref<16x32x128xf32, #tpu.memory_space<vmem>>, vector<16x32x32xf32>
    tpu.vector_store %arg6[%swap3A_454, %swap3A_455, %swap3A_456], %reshape3A_453 {strides = array<i32>} : memref<16x32x128xf32, #tpu.memory_space<vmem>>, vector<16x32x32xf32>,
    %slice3A_458 = vector.extract_strided_slice %get3A_441 {offsets = [0, 64], sizes = [1024, 32], strides = [1, 1]} : vector<1024x128xf32> to vector<1024x32xf32>
    %dot_general3A_459 = arith.constant dense<0.000000e+00> : vector<16x1024xf32>
    %dot_general3A_460 = tpu.matmul %get3A_31, %slice3A_458, %dot_general3A_459 {dimension_numbers = #tpu.dot_dimension_numbers<[1], [1], [0], [0], [0, 0, 1, 0], [], []>, transpose_lhs_hint = false} : vector<16x32xf32>, vector<1024x32xf32>, vector<16x1024xf32> -> vector<16x1024xf32>
    %reshape3A_461 = vector.shape_cast %dot_general3A_460 : vector<16x1024xf32> to vector<16x32x32xf32>
    %swap3A_462 = arith.constant 0 : index
    %swap3A_463 = arith.constant 0 : index
    %swap3A_464 = arith.constant 64 : index
    %swap3A_465 = vector.load %arg6[%swap3A_462, %swap3A_463, %swap3A_464] : memref<16x32x128xf32, #tpu.memory_space<vmem>>, vector<16x32x32xf32>
    tpu.vector_store %arg6[%swap3A_462, %swap3A_463, %swap3A_464], %reshape3A_461 {strides = array<i32>} : memref<16x32x128xf32, #tpu.memory_space<vmem>>, vector<16x32x32xf32>,
    %slice3A_466 = vector.extract_strided_slice %get3A_441 {offsets = [0, 96], sizes = [1024, 32], strides = [1, 1]} : vector<1024x128xf32> to vector<1024x32xf32>
    %dot_general3A_467 = arith.constant dense<0.000000e+00> : vector<16x1024xf32>
    %dot_general3A_468 = tpu.matmul %get3A_31, %slice3A_466, %dot_general3A_467 {dimension_numbers = #tpu.dot_dimension_numbers<[1], [1], [0], [0], [0, 0, 1, 0], [], []>, transpose_lhs_hint = false} : vector<16x32xf32>, vector<1024x32xf32>, vector<16x1024xf32> -> vector<16x1024xf32>
    %reshape3A_469 = vector.shape_cast %dot_general3A_468 : vector<16x1024xf32> to vector<16x32x32xf32>
    %swap3A_470 = arith.constant 0 : index
    %swap3A_471 = arith.constant 0 : index
    %swap3A_472 = arith.constant 96 : index
    %swap3A_473 = vector.load %arg6[%swap3A_470, %swap3A_471, %swap3A_472] : memref<16x32x128xf32, #tpu.memory_space<vmem>>, vector<16x32x32xf32>
    tpu.vector_store %arg6[%swap3A_470, %swap3A_471, %swap3A_472], %reshape3A_469 {strides = array<i32>} : memref<16x32x128xf32, #tpu.memory_space<vmem>>, vector<16x32x32xf32>,
    %get3A_474 = arith.constant 0 : index
    %get3A_475 = arith.constant 0 : index
    %get3A_476 = arith.constant 0 : index
    %get3A_477 = vector.load %arg6[%get3A_474, %get3A_475, %get3A_476] : memref<16x32x128xf32, #tpu.memory_space<vmem>>, vector<16x32x128xf32>
    %reduce_max3A_478 = arith.constant dense<0xFF800000> : vector<16x128xf32>
    %reduce_max3A_479 = vector.multi_reduction <maximumf>, %get3A_477, %reduce_max3A_478 [1] : vector<16x32x128xf32> to vector<16x128xf32>
    %broadcast_in_dim3A_480 = vector.shape_cast %reduce_max3A_479 : vector<16x128xf32> to vector<16x1x128xf32>
    %sub3A_481 = vector.broadcast %broadcast_in_dim3A_480 : vector<16x1x128xf32> to vector<16x32x128xf32>
    %sub3A_482 = arith.subf %get3A_477, %sub3A_481 : vector<16x32x128xf32>
    %exp3A_483 = math.exp %sub3A_482 : vector<16x32x128xf32>
    %reduce_sum3A_484 = arith.constant dense<0.000000e+00> : vector<16x128xf32>
    %reduce_sum3A_485 = vector.multi_reduction <add>, %exp3A_483, %reduce_sum3A_484 [1] : vector<16x32x128xf32> to vector<16x128xf32>
    %broadcast_in_dim3A_486 = vector.shape_cast %reduce_sum3A_485 : vector<16x128xf32> to vector<16x1x128xf32>
    %div3A_487 = vector.broadcast %broadcast_in_dim3A_486 : vector<16x1x128xf32> to vector<16x32x128xf32>
    %div3A_488 = arith.divf %exp3A_483, %div3A_487 : vector<16x32x128xf32>
    %reduce_max3A_489 = arith.constant dense<0xFF800000> : vector<32x128xf32>
    %reduce_max3A_490 = vector.multi_reduction <maximumf>, %div3A_488, %reduce_max3A_489 [0] : vector<16x32x128xf32> to vector<32x128xf32>
    %reduce_sum3A_491 = arith.constant dense<0.000000e+00> : vector<128xf32>
    %reduce_sum3A_492 = vector.multi_reduction <add>, %reduce_max3A_490, %reduce_sum3A_491 [0] : vector<32x128xf32> to vector<128xf32>
    %swap3A_493 = arith.constant 0 : index
    %swap3A_494 = arith.constant 384 : index
    %swap3A_495 = vector.load %arg7[%swap3A_493, %swap3A_494] : memref<1x512xf32, #tpu.memory_space<vmem>>, vector<1x128xf32>
    %swap3A_496 = vector.shape_cast %swap3A_495 : vector<1x128xf32> to vector<128xf32>
    %swap3A_497 = vector.shape_cast %reduce_sum3A_492 : vector<128xf32> to vector<1x128xf32>
    tpu.vector_store %arg7[%swap3A_493, %swap3A_494], %swap3A_497 {strides = array<i32>} : memref<1x512xf32, #tpu.memory_space<vmem>>, vector<1x128xf32>,
    %get3A_498 = arith.constant 0 : index
    %get3A_499 = arith.constant 0 : index
    %get3A_500 = vector.load %arg7[%get3A_498, %get3A_499] : memref<1x512xf32, #tpu.memory_space<vmem>>, vector<1x512xf32>
    %transpose3A = tpu.transpose %get3A_500, [1, 0] : vector<1x512xf32> -> vector<512x1xf32>
    %iota3A = tpu.iota {dimensions = array<i32: 1>} : vector<1x512xi32>
    %iota3A_501 = tpu.iota {dimensions = array<i32: 0>} : vector<512x1xi32>
    %jit3A_502 = arith.constant 128 : i32
    %div3A_503 = vector.broadcast %jit3A_502 : i32 to vector<1x512xi32>
    %div3A_504 = arith.divsi %iota3A, %div3A_503 : vector<1x512xi32>
    %sign3A_505 = arith.constant 0 : i32
    %sign3A_506 = vector.broadcast %sign3A_505 : i32 to vector<1x512xi32>
    %sign3A_507 = arith.cmpi sgt, %iota3A, %sign3A_506 : vector<1x512xi32>
    %sign3A_508 = arith.extui %sign3A_507 : vector<1x512xi1> to vector<1x512xi32>
    %sign3A_509 = arith.constant 0 : i32
    %sign3A_510 = vector.broadcast %sign3A_509 : i32 to vector<1x512xi32>
    %sign3A_511 = arith.cmpi slt, %iota3A, %sign3A_510 : vector<1x512xi32>
    %sign3A_512 = arith.extui %sign3A_511 : vector<1x512xi1> to vector<1x512xi32>
    %sign3A_513 = arith.subi %sign3A_508, %sign3A_512 : vector<1x512xi32>
    %sign3A_514 = arith.constant 0 : i32
    %sign3A_515 = arith.cmpi sgt, %jit3A_502, %sign3A_514 : i32
    %sign3A_516 = arith.extui %sign3A_515 : i1 to i32
    %sign3A_517 = arith.constant 0 : i32
    %sign3A_518 = arith.cmpi slt, %jit3A_502, %sign3A_517 : i32
    %sign3A_519 = arith.extui %sign3A_518 : i1 to i32
    %sign3A_520 = arith.subi %sign3A_516, %sign3A_519 : i32
    %ne3A_521 = vector.broadcast %sign3A_520 : i32 to vector<1x512xi32>
    %ne3A_522 = arith.cmpi ne, %sign3A_513, %ne3A_521 : vector<1x512xi32>
    %rem3A_523 = vector.broadcast %jit3A_502 : i32 to vector<1x512xi32>
    %rem3A_524 = arith.remsi %iota3A, %rem3A_523 : vector<1x512xi32>
    %ne3A_525 = arith.constant 0 : i32
    %ne3A_526 = vector.broadcast %ne3A_525 : i32 to vector<1x512xi32>
    %ne3A_527 = arith.cmpi ne, %rem3A_524, %ne3A_526 : vector<1x512xi32>
    %and3A_528 = arith.andi %ne3A_522, %ne3A_527 : vector<1x512xi1>
    %sub3A_529 = arith.constant 1 : i32
    %sub3A_530 = vector.broadcast %sub3A_529 : i32 to vector<1x512xi32>
    %sub3A_531 = arith.subi %div3A_504, %sub3A_530 : vector<1x512xi32>
    %select_n3A_532 = arith.select %and3A_528, %sub3A_531, %div3A_504 : vector<1x512xi1>, vector<1x512xi32>
    %mul3A_533 = arith.constant 128 : i32
    %mul3A_534 = vector.broadcast %mul3A_533 : i32 to vector<1x512xi32>
    %mul3A_535 = arith.muli %select_n3A_532, %mul3A_534 : vector<1x512xi32>
    %jit3A_536 = arith.constant 32 : i32
    %eq3A = arith.constant 0 : i32
    %eq3A_537 = arith.cmpi eq, %jit3A_536, %eq3A : i32
    %jit3A_538 = arith.constant 1 : i32
    %select_n3A_539 = arith.select %eq3A_537, %jit3A_538, %jit3A_536 : i32
    %rem3A_540 = vector.broadcast %select_n3A_539 : i32 to vector<1x512xi32>
    %rem3A_541 = arith.remsi %iota3A, %rem3A_540 : vector<1x512xi32>
    %ne3A_542 = arith.constant 0 : i32
    %ne3A_543 = vector.broadcast %ne3A_542 : i32 to vector<1x512xi32>
    %ne3A_544 = arith.cmpi ne, %rem3A_541, %ne3A_543 : vector<1x512xi32>
    %lt3A = arith.constant 0 : i32
    %lt3A_545 = vector.broadcast %lt3A : i32 to vector<1x512xi32>
    %lt3A_546 = arith.cmpi slt, %rem3A_541, %lt3A_545 : vector<1x512xi32>
    %lt3A_547 = arith.constant 0 : i32
    %lt3A_548 = arith.cmpi slt, %select_n3A_539, %lt3A_547 : i32
    %ne3A_549 = vector.broadcast %lt3A_548 : i1 to vector<1x512xi1>
    %ne3A_550 = vector.broadcast %ne3A_549 : vector<1x512xi1> to vector<1x512xi1>
    %ne3A_551 = arith.xori %lt3A_546, %ne3A_550 : vector<1x512xi1>
    %and3A_552 = arith.andi %ne3A_551, %ne3A_544 : vector<1x512xi1>
    %add3A_553 = vector.broadcast %select_n3A_539 : i32 to vector<1x512xi32>
    %add3A_554 = arith.addi %rem3A_541, %add3A_553 : vector<1x512xi32>
    %select_n3A_555 = arith.select %and3A_552, %add3A_554, %rem3A_541 : vector<1x512xi1>, vector<1x512xi32>
    %mul3A_556 = arith.constant 4 : i32
    %mul3A_557 = vector.broadcast %mul3A_556 : i32 to vector<1x512xi32>
    %mul3A_558 = arith.muli %mul3A_557, %select_n3A_555 : vector<1x512xi32>
    %add3A_559 = arith.addi %mul3A_535, %mul3A_558 : vector<1x512xi32>
    %jit3A_560 = arith.constant 128 : i32
    %eq3A_561 = arith.constant 0 : i32
    %eq3A_562 = arith.cmpi eq, %jit3A_560, %eq3A_561 : i32
    %jit3A_563 = arith.constant 1 : i32
    %select_n3A_564 = arith.select %eq3A_562, %jit3A_563, %jit3A_560 : i32
    %rem3A_565 = vector.broadcast %select_n3A_564 : i32 to vector<1x512xi32>
    %rem3A_566 = arith.remsi %iota3A, %rem3A_565 : vector<1x512xi32>
    %ne3A_567 = arith.constant 0 : i32
    %ne3A_568 = vector.broadcast %ne3A_567 : i32 to vector<1x512xi32>
    %ne3A_569 = arith.cmpi ne, %rem3A_566, %ne3A_568 : vector<1x512xi32>
    %lt3A_570 = arith.constant 0 : i32
    %lt3A_571 = vector.broadcast %lt3A_570 : i32 to vector<1x512xi32>
    %lt3A_572 = arith.cmpi slt, %rem3A_566, %lt3A_571 : vector<1x512xi32>
    %lt3A_573 = arith.constant 0 : i32
    %lt3A_574 = arith.cmpi slt, %select_n3A_564, %lt3A_573 : i32
    %ne3A_575 = vector.broadcast %lt3A_574 : i1 to vector<1x512xi1>
    %ne3A_576 = vector.broadcast %ne3A_575 : vector<1x512xi1> to vector<1x512xi1>
    %ne3A_577 = arith.xori %lt3A_572, %ne3A_576 : vector<1x512xi1>
    %and3A_578 = arith.andi %ne3A_577, %ne3A_569 : vector<1x512xi1>
    %add3A_579 = vector.broadcast %select_n3A_564 : i32 to vector<1x512xi32>
    %add3A_580 = arith.addi %rem3A_566, %add3A_579 : vector<1x512xi32>
    %select_n3A_581 = arith.select %and3A_578, %add3A_580, %rem3A_566 : vector<1x512xi1>, vector<1x512xi32>
    %jit3A_582 = arith.constant 32 : i32
    %div3A_583 = vector.broadcast %jit3A_582 : i32 to vector<1x512xi32>
    %div3A_584 = arith.divsi %select_n3A_581, %div3A_583 : vector<1x512xi32>
    %sign3A_585 = arith.constant 0 : i32
    %sign3A_586 = vector.broadcast %sign3A_585 : i32 to vector<1x512xi32>
    %sign3A_587 = arith.cmpi sgt, %select_n3A_581, %sign3A_586 : vector<1x512xi32>
    %sign3A_588 = arith.extui %sign3A_587 : vector<1x512xi1> to vector<1x512xi32>
    %sign3A_589 = arith.constant 0 : i32
    %sign3A_590 = vector.broadcast %sign3A_589 : i32 to vector<1x512xi32>
    %sign3A_591 = arith.cmpi slt, %select_n3A_581, %sign3A_590 : vector<1x512xi32>
    %sign3A_592 = arith.extui %sign3A_591 : vector<1x512xi1> to vector<1x512xi32>
    %sign3A_593 = arith.subi %sign3A_588, %sign3A_592 : vector<1x512xi32>
    %sign3A_594 = arith.constant 0 : i32
    %sign3A_595 = arith.cmpi sgt, %jit3A_582, %sign3A_594 : i32
    %sign3A_596 = arith.extui %sign3A_595 : i1 to i32
    %sign3A_597 = arith.constant 0 : i32
    %sign3A_598 = arith.cmpi slt, %jit3A_582, %sign3A_597 : i32
    %sign3A_599 = arith.extui %sign3A_598 : i1 to i32
    %sign3A_600 = arith.subi %sign3A_596, %sign3A_599 : i32
    %ne3A_601 = vector.broadcast %sign3A_600 : i32 to vector<1x512xi32>
    %ne3A_602 = arith.cmpi ne, %sign3A_593, %ne3A_601 : vector<1x512xi32>
    %rem3A_603 = vector.broadcast %jit3A_582 : i32 to vector<1x512xi32>
    %rem3A_604 = arith.remsi %select_n3A_581, %rem3A_603 : vector<1x512xi32>
    %ne3A_605 = arith.constant 0 : i32
    %ne3A_606 = vector.broadcast %ne3A_605 : i32 to vector<1x512xi32>
    %ne3A_607 = arith.cmpi ne, %rem3A_604, %ne3A_606 : vector<1x512xi32>
    %and3A_608 = arith.andi %ne3A_602, %ne3A_607 : vector<1x512xi1>
    %sub3A_609 = arith.constant 1 : i32
    %sub3A_610 = vector.broadcast %sub3A_609 : i32 to vector<1x512xi32>
    %sub3A_611 = arith.subi %div3A_584, %sub3A_610 : vector<1x512xi32>
    %select_n3A_612 = arith.select %and3A_608, %sub3A_611, %div3A_584 : vector<1x512xi1>, vector<1x512xi32>
    %add3A_613 = arith.addi %add3A_559, %select_n3A_612 : vector<1x512xi32>
    %jit3A_614 = arith.constant 128 : i32
    %div3A_615 = vector.broadcast %jit3A_614 : i32 to vector<512x1xi32>
    %div3A_616 = arith.divsi %iota3A_501, %div3A_615 : vector<512x1xi32>
    %sign3A_617 = arith.constant 0 : i32
    %sign3A_618 = vector.broadcast %sign3A_617 : i32 to vector<512x1xi32>
    %sign3A_619 = arith.cmpi sgt, %iota3A_501, %sign3A_618 : vector<512x1xi32>
    %sign3A_620 = arith.extui %sign3A_619 : vector<512x1xi1> to vector<512x1xi32>
    %sign3A_621 = arith.constant 0 : i32
    %sign3A_622 = vector.broadcast %sign3A_621 : i32 to vector<512x1xi32>
    %sign3A_623 = arith.cmpi slt, %iota3A_501, %sign3A_622 : vector<512x1xi32>
    %sign3A_624 = arith.extui %sign3A_623 : vector<512x1xi1> to vector<512x1xi32>
    %sign3A_625 = arith.subi %sign3A_620, %sign3A_624 : vector<512x1xi32>
    %sign3A_626 = arith.constant 0 : i32
    %sign3A_627 = arith.cmpi sgt, %jit3A_614, %sign3A_626 : i32
    %sign3A_628 = arith.extui %sign3A_627 : i1 to i32
    %sign3A_629 = arith.constant 0 : i32
    %sign3A_630 = arith.cmpi slt, %jit3A_614, %sign3A_629 : i32
    %sign3A_631 = arith.extui %sign3A_630 : i1 to i32
    %sign3A_632 = arith.subi %sign3A_628, %sign3A_631 : i32
    %ne3A_633 = vector.broadcast %sign3A_632 : i32 to vector<512x1xi32>
    %ne3A_634 = arith.cmpi ne, %sign3A_625, %ne3A_633 : vector<512x1xi32>
    %rem3A_635 = vector.broadcast %jit3A_614 : i32 to vector<512x1xi32>
    %rem3A_636 = arith.remsi %iota3A_501, %rem3A_635 : vector<512x1xi32>
    %ne3A_637 = arith.constant 0 : i32
    %ne3A_638 = vector.broadcast %ne3A_637 : i32 to vector<512x1xi32>
    %ne3A_639 = arith.cmpi ne, %rem3A_636, %ne3A_638 : vector<512x1xi32>
    %and3A_640 = arith.andi %ne3A_634, %ne3A_639 : vector<512x1xi1>
    %sub3A_641 = arith.constant 1 : i32
    %sub3A_642 = vector.broadcast %sub3A_641 : i32 to vector<512x1xi32>
    %sub3A_643 = arith.subi %div3A_616, %sub3A_642 : vector<512x1xi32>
    %select_n3A_644 = arith.select %and3A_640, %sub3A_643, %div3A_616 : vector<512x1xi1>, vector<512x1xi32>
    %mul3A_645 = arith.constant 128 : i32
    %mul3A_646 = vector.broadcast %mul3A_645 : i32 to vector<512x1xi32>
    %mul3A_647 = arith.muli %select_n3A_644, %mul3A_646 : vector<512x1xi32>
    %jit3A_648 = arith.constant 32 : i32
    %eq3A_649 = arith.constant 0 : i32
    %eq3A_650 = arith.cmpi eq, %jit3A_648, %eq3A_649 : i32
    %jit3A_651 = arith.constant 1 : i32
    %select_n3A_652 = arith.select %eq3A_650, %jit3A_651, %jit3A_648 : i32
    %rem3A_653 = vector.broadcast %select_n3A_652 : i32 to vector<512x1xi32>
    %rem3A_654 = arith.remsi %iota3A_501, %rem3A_653 : vector<512x1xi32>
    %ne3A_655 = arith.constant 0 : i32
    %ne3A_656 = vector.broadcast %ne3A_655 : i32 to vector<512x1xi32>
    %ne3A_657 = arith.cmpi ne, %rem3A_654, %ne3A_656 : vector<512x1xi32>
    %lt3A_658 = arith.constant 0 : i32
    %lt3A_659 = vector.broadcast %lt3A_658 : i32 to vector<512x1xi32>
    %lt3A_660 = arith.cmpi slt, %rem3A_654, %lt3A_659 : vector<512x1xi32>
    %lt3A_661 = arith.constant 0 : i32
    %lt3A_662 = arith.cmpi slt, %select_n3A_652, %lt3A_661 : i32
    %ne3A_663 = vector.broadcast %lt3A_662 : i1 to vector<512x1xi1>
    %ne3A_664 = vector.broadcast %ne3A_663 : vector<512x1xi1> to vector<512x1xi1>
    %ne3A_665 = arith.xori %lt3A_660, %ne3A_664 : vector<512x1xi1>
    %and3A_666 = arith.andi %ne3A_665, %ne3A_657 : vector<512x1xi1>
    %add3A_667 = vector.broadcast %select_n3A_652 : i32 to vector<512x1xi32>
    %add3A_668 = arith.addi %rem3A_654, %add3A_667 : vector<512x1xi32>
    %select_n3A_669 = arith.select %and3A_666, %add3A_668, %rem3A_654 : vector<512x1xi1>, vector<512x1xi32>
    %mul3A_670 = arith.constant 4 : i32
    %mul3A_671 = vector.broadcast %mul3A_670 : i32 to vector<512x1xi32>
    %mul3A_672 = arith.muli %mul3A_671, %select_n3A_669 : vector<512x1xi32>
    %add3A_673 = arith.addi %mul3A_647, %mul3A_672 : vector<512x1xi32>
    %jit3A_674 = arith.constant 128 : i32
    %eq3A_675 = arith.constant 0 : i32
    %eq3A_676 = arith.cmpi eq, %jit3A_674, %eq3A_675 : i32
    %jit3A_677 = arith.constant 1 : i32
    %select_n3A_678 = arith.select %eq3A_676, %jit3A_677, %jit3A_674 : i32
    %rem3A_679 = vector.broadcast %select_n3A_678 : i32 to vector<512x1xi32>
    %rem3A_680 = arith.remsi %iota3A_501, %rem3A_679 : vector<512x1xi32>
    %ne3A_681 = arith.constant 0 : i32
    %ne3A_682 = vector.broadcast %ne3A_681 : i32 to vector<512x1xi32>
    %ne3A_683 = arith.cmpi ne, %rem3A_680, %ne3A_682 : vector<512x1xi32>
    %lt3A_684 = arith.constant 0 : i32
    %lt3A_685 = vector.broadcast %lt3A_684 : i32 to vector<512x1xi32>
    %lt3A_686 = arith.cmpi slt, %rem3A_680, %lt3A_685 : vector<512x1xi32>
    %lt3A_687 = arith.constant 0 : i32
    %lt3A_688 = arith.cmpi slt, %select_n3A_678, %lt3A_687 : i32
    %ne3A_689 = vector.broadcast %lt3A_688 : i1 to vector<512x1xi1>
    %ne3A_690 = vector.broadcast %ne3A_689 : vector<512x1xi1> to vector<512x1xi1>
    %ne3A_691 = arith.xori %lt3A_686, %ne3A_690 : vector<512x1xi1>
    %and3A_692 = arith.andi %ne3A_691, %ne3A_683 : vector<512x1xi1>
    %add3A_693 = vector.broadcast %select_n3A_678 : i32 to vector<512x1xi32>
    %add3A_694 = arith.addi %rem3A_680, %add3A_693 : vector<512x1xi32>
    %select_n3A_695 = arith.select %and3A_692, %add3A_694, %rem3A_680 : vector<512x1xi1>, vector<512x1xi32>
    %jit3A_696 = arith.constant 32 : i32
    %div3A_697 = vector.broadcast %jit3A_696 : i32 to vector<512x1xi32>
    %div3A_698 = arith.divsi %select_n3A_695, %div3A_697 : vector<512x1xi32>
    %sign3A_699 = arith.constant 0 : i32
    %sign3A_700 = vector.broadcast %sign3A_699 : i32 to vector<512x1xi32>
    %sign3A_701 = arith.cmpi sgt, %select_n3A_695, %sign3A_700 : vector<512x1xi32>
    %sign3A_702 = arith.extui %sign3A_701 : vector<512x1xi1> to vector<512x1xi32>
    %sign3A_703 = arith.constant 0 : i32
    %sign3A_704 = vector.broadcast %sign3A_703 : i32 to vector<512x1xi32>
    %sign3A_705 = arith.cmpi slt, %select_n3A_695, %sign3A_704 : vector<512x1xi32>
    %sign3A_706 = arith.extui %sign3A_705 : vector<512x1xi1> to vector<512x1xi32>
    %sign3A_707 = arith.subi %sign3A_702, %sign3A_706 : vector<512x1xi32>
    %sign3A_708 = arith.constant 0 : i32
    %sign3A_709 = arith.cmpi sgt, %jit3A_696, %sign3A_708 : i32
    %sign3A_710 = arith.extui %sign3A_709 : i1 to i32
    %sign3A_711 = arith.constant 0 : i32
    %sign3A_712 = arith.cmpi slt, %jit3A_696, %sign3A_711 : i32
    %sign3A_713 = arith.extui %sign3A_712 : i1 to i32
    %sign3A_714 = arith.subi %sign3A_710, %sign3A_713 : i32
    %ne3A_715 = vector.broadcast %sign3A_714 : i32 to vector<512x1xi32>
    %ne3A_716 = arith.cmpi ne, %sign3A_707, %ne3A_715 : vector<512x1xi32>
    %rem3A_717 = vector.broadcast %jit3A_696 : i32 to vector<512x1xi32>
    %rem3A_718 = arith.remsi %select_n3A_695, %rem3A_717 : vector<512x1xi32>
    %ne3A_719 = arith.constant 0 : i32
    %ne3A_720 = vector.broadcast %ne3A_719 : i32 to vector<512x1xi32>
    %ne3A_721 = arith.cmpi ne, %rem3A_718, %ne3A_720 : vector<512x1xi32>
    %and3A_722 = arith.andi %ne3A_716, %ne3A_721 : vector<512x1xi1>
    %sub3A_723 = arith.constant 1 : i32
    %sub3A_724 = vector.broadcast %sub3A_723 : i32 to vector<512x1xi32>
    %sub3A_725 = arith.subi %div3A_698, %sub3A_724 : vector<512x1xi32>
    %select_n3A_726 = arith.select %and3A_722, %sub3A_725, %div3A_698 : vector<512x1xi1>, vector<512x1xi32>
    %add3A_727 = arith.addi %add3A_673, %select_n3A_726 : vector<512x1xi32>
    %gt3A = vector.broadcast %get3A_500 : vector<1x512xf32> to vector<512x512xf32>
    %gt3A_728 = vector.broadcast %transpose3A : vector<512x1xf32> to vector<512x512xf32>
    %gt3A_729 = arith.cmpf ogt, %gt3A, %gt3A_728 : vector<512x512xf32>
    %eq3A_730 = vector.broadcast %get3A_500 : vector<1x512xf32> to vector<512x512xf32>
    %eq3A_731 = vector.broadcast %transpose3A : vector<512x1xf32> to vector<512x512xf32>
    %eq3A_732 = arith.cmpf oeq, %eq3A_730, %eq3A_731 : vector<512x512xf32>
    %lt3A_733 = vector.broadcast %add3A_613 : vector<1x512xi32> to vector<512x512xi32>
    %lt3A_734 = vector.broadcast %add3A_727 : vector<512x1xi32> to vector<512x512xi32>
    %lt3A_735 = arith.cmpi slt, %lt3A_733, %lt3A_734 : vector<512x512xi32>
    %and3A_736 = arith.andi %eq3A_732, %lt3A_735 : vector<512x512xi1>
    %or3A = arith.ori %gt3A_729, %and3A_736 : vector<512x512xi1>
    %convert_element_type3A = arith.extui %or3A : vector<512x512xi1> to vector<512x512xi32>
    %convert_element_type3A_737 = arith.sitofp %convert_element_type3A : vector<512x512xi32> to vector<512x512xf32>
    %reduce_sum3A_738 = arith.constant dense<0.000000e+00> : vector<512xf32>
    %reduce_sum3A_739 = vector.multi_reduction <add>, %convert_element_type3A_737, %reduce_sum3A_738 [1] : vector<512x512xf32> to vector<512xf32>
    %broadcast_in_dim3A_740 = vector.shape_cast %reduce_sum3A_739 : vector<512xf32> to vector<512x1xf32>
    %iota3A_741 = tpu.iota {dimensions = array<i32: 1>} : vector<1x64xi32>
    %convert_element_type3A_742 = arith.sitofp %iota3A_741 : vector<1x64xi32> to vector<1x64xf32>
    %eq3A_743 = vector.broadcast %broadcast_in_dim3A_740 : vector<512x1xf32> to vector<512x64xf32>
    %eq3A_744 = vector.broadcast %convert_element_type3A_742 : vector<1x64xf32> to vector<512x64xf32>
    %eq3A_745 = arith.cmpf oeq, %eq3A_743, %eq3A_744 : vector<512x64xf32>
    %convert_element_type3A_746 = arith.extui %eq3A_745 : vector<512x64xi1> to vector<512x64xi32>
    %convert_element_type3A_747 = arith.sitofp %convert_element_type3A_746 : vector<512x64xi32> to vector<512x64xf32>
    %convert_element_type3A_748 = arith.sitofp %add3A_727 : vector<512x1xi32> to vector<512x1xf32>
    %dot_general3A_749 = arith.constant dense<0.000000e+00> : vector<64x1xf32>
    %dot_general3A_750 = tpu.matmul %convert_element_type3A_747, %convert_element_type3A_748, %dot_general3A_749 {dimension_numbers = #tpu.dot_dimension_numbers<[0], [0], [1], [1], [0, 1, 1, 1], [], []>, precision = #tpu.contract_precision<fp32>, transpose_lhs_hint = false} : vector<512x64xf32>, vector<512x1xf32>, vector<64x1xf32> -> vector<64x1xf32>
    %add3A_751 = arith.constant 5.000000e-01 : f32
    %add3A_752 = vector.broadcast %add3A_751 : f32 to vector<64x1xf32>
    %add3A_753 = arith.addf %dot_general3A_750, %add3A_752 : vector<64x1xf32>
    %convert_element_type3A_754 = arith.fptosi %add3A_753 : vector<64x1xf32> to vector<64x1xi32>
    %iota3A_755 = tpu.iota {dimensions = array<i32: 1>} : vector<1x32xi32>
    %jit3A_756 = arith.constant 128 : i32
    %div3A_757 = vector.broadcast %jit3A_756 : i32 to vector<64x1xi32>
    %div3A_758 = arith.divsi %convert_element_type3A_754, %div3A_757 : vector<64x1xi32>
    %sign3A_759 = arith.constant 0 : i32
    %sign3A_760 = vector.broadcast %sign3A_759 : i32 to vector<64x1xi32>
    %sign3A_761 = arith.cmpi sgt, %convert_element_type3A_754, %sign3A_760 : vector<64x1xi32>
    %sign3A_762 = arith.extui %sign3A_761 : vector<64x1xi1> to vector<64x1xi32>
    %sign3A_763 = arith.constant 0 : i32
    %sign3A_764 = vector.broadcast %sign3A_763 : i32 to vector<64x1xi32>
    %sign3A_765 = arith.cmpi slt, %convert_element_type3A_754, %sign3A_764 : vector<64x1xi32>
    %sign3A_766 = arith.extui %sign3A_765 : vector<64x1xi1> to vector<64x1xi32>
    %sign3A_767 = arith.subi %sign3A_762, %sign3A_766 : vector<64x1xi32>
    %sign3A_768 = arith.constant 0 : i32
    %sign3A_769 = arith.cmpi sgt, %jit3A_756, %sign3A_768 : i32
    %sign3A_770 = arith.extui %sign3A_769 : i1 to i32
    %sign3A_771 = arith.constant 0 : i32
    %sign3A_772 = arith.cmpi slt, %jit3A_756, %sign3A_771 : i32
    %sign3A_773 = arith.extui %sign3A_772 : i1 to i32
    %sign3A_774 = arith.subi %sign3A_770, %sign3A_773 : i32
    %ne3A_775 = vector.broadcast %sign3A_774 : i32 to vector<64x1xi32>
    %ne3A_776 = arith.cmpi ne, %sign3A_767, %ne3A_775 : vector<64x1xi32>
    %rem3A_777 = vector.broadcast %jit3A_756 : i32 to vector<64x1xi32>
    %rem3A_778 = arith.remsi %convert_element_type3A_754, %rem3A_777 : vector<64x1xi32>
    %ne3A_779 = arith.constant 0 : i32
    %ne3A_780 = vector.broadcast %ne3A_779 : i32 to vector<64x1xi32>
    %ne3A_781 = arith.cmpi ne, %rem3A_778, %ne3A_780 : vector<64x1xi32>
    %and3A_782 = arith.andi %ne3A_776, %ne3A_781 : vector<64x1xi1>
    %sub3A_783 = arith.constant 1 : i32
    %sub3A_784 = vector.broadcast %sub3A_783 : i32 to vector<64x1xi32>
    %sub3A_785 = arith.subi %div3A_758, %sub3A_784 : vector<64x1xi32>
    %select_n3A_786 = arith.select %and3A_782, %sub3A_785, %div3A_758 : vector<64x1xi1>, vector<64x1xi32>
    %mul3A_787 = arith.constant 4096 : i32
    %mul3A_788 = vector.broadcast %mul3A_787 : i32 to vector<64x1xi32>
    %mul3A_789 = arith.muli %select_n3A_786, %mul3A_788 : vector<64x1xi32>
    %add3A_790 = vector.broadcast %mul3A_0 : i32 to vector<64x1xi32>
    %add3A_791 = arith.addi %add3A_790, %mul3A_789 : vector<64x1xi32>
    %jit3A_792 = arith.constant 128 : i32
    %eq3A_793 = arith.constant 0 : i32
    %eq3A_794 = arith.cmpi eq, %jit3A_792, %eq3A_793 : i32
    %jit3A_795 = arith.constant 1 : i32
    %select_n3A_796 = arith.select %eq3A_794, %jit3A_795, %jit3A_792 : i32
    %rem3A_797 = vector.broadcast %select_n3A_796 : i32 to vector<64x1xi32>
    %rem3A_798 = arith.remsi %convert_element_type3A_754, %rem3A_797 : vector<64x1xi32>
    %ne3A_799 = arith.constant 0 : i32
    %ne3A_800 = vector.broadcast %ne3A_799 : i32 to vector<64x1xi32>
    %ne3A_801 = arith.cmpi ne, %rem3A_798, %ne3A_800 : vector<64x1xi32>
    %lt3A_802 = arith.constant 0 : i32
    %lt3A_803 = vector.broadcast %lt3A_802 : i32 to vector<64x1xi32>
    %lt3A_804 = arith.cmpi slt, %rem3A_798, %lt3A_803 : vector<64x1xi32>
    %lt3A_805 = arith.constant 0 : i32
    %lt3A_806 = arith.cmpi slt, %select_n3A_796, %lt3A_805 : i32
    %ne3A_807 = vector.broadcast %lt3A_806 : i1 to vector<64x1xi1>
    %ne3A_808 = vector.broadcast %ne3A_807 : vector<64x1xi1> to vector<64x1xi1>
    %ne3A_809 = arith.xori %lt3A_804, %ne3A_808 : vector<64x1xi1>
    %and3A_810 = arith.andi %ne3A_809, %ne3A_801 : vector<64x1xi1>
    %add3A_811 = vector.broadcast %select_n3A_796 : i32 to vector<64x1xi32>
    %add3A_812 = arith.addi %rem3A_798, %add3A_811 : vector<64x1xi32>
    %select_n3A_813 = arith.select %and3A_810, %add3A_812, %rem3A_798 : vector<64x1xi1>, vector<64x1xi32>
    %add3A_814 = arith.addi %add3A_791, %select_n3A_813 : vector<64x1xi32>
    %mul3A_815 = arith.constant 128 : i32
    %mul3A_816 = vector.broadcast %mul3A_815 : i32 to vector<1x32xi32>
    %mul3A_817 = arith.muli %iota3A_755, %mul3A_816 : vector<1x32xi32>
    %add3A_818 = vector.broadcast %add3A_814 : vector<64x1xi32> to vector<64x32xi32>
    %add3A_819 = vector.broadcast %mul3A_817 : vector<1x32xi32> to vector<64x32xi32>
    %add3A_820 = arith.addi %add3A_818, %add3A_819 : vector<64x32xi32>
    %swap3A_821 = arith.constant 0 : index
    %swap3A_822 = arith.constant 0 : index
    %swap3A_823 = arith.constant 0 : index
    %swap3A_824 = vector.load %arg3[%swap3A_821, %swap3A_822, %swap3A_823] : memref<1x64x32xi32, #tpu.memory_space<vmem>>, vector<1x64x32xi32>
    %swap3A_825 = vector.shape_cast %swap3A_824 : vector<1x64x32xi32> to vector<64x32xi32>
    %swap3A_826 = vector.shape_cast %add3A_820 : vector<64x32xi32> to vector<1x64x32xi32>
    tpu.vector_store %arg3[%swap3A_821, %swap3A_822, %swap3A_823], %swap3A_826 {strides = array<i32>} : memref<1x64x32xi32, #tpu.memory_space<vmem>>, vector<1x64x32xi32>,
    return
  }
  func.func @transform_2(%arg0: i32) -> (i32, i32, i32) {
    %c0_i32 = arith.constant 0 : i32
    %c0_i32_0 = arith.constant 0 : i32
    %c0_i32_1 = arith.constant 0 : i32
    return %arg0, %c0_i32, %c0_i32_0 : i32, i32, i32
  }
}

module attributes {stable_mosaic.version = 14 : i64} {
  func.func @_finalize_kernel(%arg0: i32, %arg1: memref<32768x32xf32, #tpu.memory_space<hbm>>, %arg2: memref<256x32xf32, #tpu.memory_space<hbm>>, %arg3: memref<1x64x32x16xf32, #tpu.memory_space<vmem>>, %arg4: memref<2048x32xf32, #tpu.memory_space<vmem>>, %arg5: memref<16x32xf32, #tpu.memory_space<vmem>>, %arg6: memref<!tpu.dma_semaphore, #tpu.memory_space<semaphore_mem>>, %arg7: memref<!tpu.dma_semaphore, #tpu.memory_space<semaphore_mem>>) attributes {dimension_semantics = [#tpu.dimension_semantics<arbitrary>], iteration_bounds = array<i64: 16>, scalar_prefetch = 0 : i64, scratch_operands = 4 : i64, tpu.core_type = #tpu.core_type<tc>, window_params = [{}, {}, {transform_indices = @transform_2, window_bounds = array<i64: 1, 64, 32, 16>}]} {
    %mul3A = arith.constant 16 : i32
    %mul3A_0 = arith.muli %arg0, %mul3A : i32
    %dma_start3A = arith.constant 0 : i32
    %dma_start3A_1 = tpu.memref_slice %arg2[%mul3A_0, %dma_start3A] : memref<256x32xf32, #tpu.memory_space<hbm>> -> memref<16x32xf32, #tpu.memory_space<hbm>>
    tpu.enqueue_dma source(%dma_start3A_1 : memref<16x32xf32, #tpu.memory_space<hbm>>) target(%arg5 : memref<16x32xf32, #tpu.memory_space<vmem>>) target_semaphore(%arg7 : memref<!tpu.dma_semaphore, #tpu.memory_space<semaphore_mem>>)
    %mul3A_2 = arith.constant 64 : i32
    %mul3A_3 = arith.muli %arg0, %mul3A_2 : i32
    %mul3A_4 = arith.constant 32 : i32
    %mul3A_5 = arith.muli %mul3A_3, %mul3A_4 : i32
    %dma_start3A_6 = arith.constant 0 : i32
    %dma_start3A_7 = tpu.memref_slice %arg1[%mul3A_5, %dma_start3A_6] : memref<32768x32xf32, #tpu.memory_space<hbm>> -> memref<2048x32xf32, #tpu.memory_space<hbm>>
    tpu.enqueue_dma source(%dma_start3A_7 : memref<2048x32xf32, #tpu.memory_space<hbm>>) target(%arg4 : memref<2048x32xf32, #tpu.memory_space<vmem>>) target_semaphore(%arg6 : memref<!tpu.dma_semaphore, #tpu.memory_space<semaphore_mem>>)
    %mul3A_8 = arith.constant 16 : i32
    %mul3A_9 = arith.muli %arg0, %mul3A_8 : i32
    %dma_wait3A = arith.constant 0 : i32
    %dma_wait3A_10 = tpu.memref_slice %arg2[%mul3A_9, %dma_wait3A] : memref<256x32xf32, #tpu.memory_space<hbm>> -> memref<16x32xf32, #tpu.memory_space<hbm>>
    tpu.wait_dma2 semaphore(%arg7 : memref<!tpu.dma_semaphore, #tpu.memory_space<semaphore_mem>>) src(%dma_wait3A_10 : memref<16x32xf32, #tpu.memory_space<hbm>>) dst(%arg5 : memref<16x32xf32, #tpu.memory_space<vmem>>)
    %mul3A_11 = arith.constant 64 : i32
    %mul3A_12 = arith.muli %arg0, %mul3A_11 : i32
    %mul3A_13 = arith.constant 32 : i32
    %mul3A_14 = arith.muli %mul3A_12, %mul3A_13 : i32
    %dma_wait3A_15 = arith.constant 0 : i32
    %dma_wait3A_16 = tpu.memref_slice %arg1[%mul3A_14, %dma_wait3A_15] : memref<32768x32xf32, #tpu.memory_space<hbm>> -> memref<2048x32xf32, #tpu.memory_space<hbm>>
    tpu.wait_dma2 semaphore(%arg6 : memref<!tpu.dma_semaphore, #tpu.memory_space<semaphore_mem>>) src(%dma_wait3A_16 : memref<2048x32xf32, #tpu.memory_space<hbm>>) dst(%arg4 : memref<2048x32xf32, #tpu.memory_space<vmem>>)
    %get3A = arith.constant 0 : index
    %get3A_17 = arith.constant 0 : index
    %get3A_18 = vector.load %arg4[%get3A, %get3A_17] : memref<2048x32xf32, #tpu.memory_space<vmem>>, vector<2048x32xf32>
    %get3A_19 = arith.constant 0 : index
    %get3A_20 = arith.constant 0 : index
    %get3A_21 = vector.load %arg5[%get3A_19, %get3A_20] : memref<16x32xf32, #tpu.memory_space<vmem>>, vector<16x32xf32>
    %dot_general3A = arith.constant dense<0.000000e+00> : vector<2048x16xf32>
    %dot_general3A_22 = tpu.matmul %get3A_18, %get3A_21, %dot_general3A {dimension_numbers = #tpu.dot_dimension_numbers<[1], [1], [0], [0], [0, 0, 1, 0], [], []>, transpose_lhs_hint = false} : vector<2048x32xf32>, vector<16x32xf32>, vector<2048x16xf32> -> vector<2048x16xf32>
    %reshape3A = vector.shape_cast %dot_general3A_22 : vector<2048x16xf32> to vector<64x32x16xf32>
    %mul3A_23 = arith.mulf %reshape3A, %reshape3A : vector<64x32x16xf32>
    %reduce_sum3A = arith.constant dense<0.000000e+00> : vector<64x16xf32>
    %reduce_sum3A_24 = vector.multi_reduction <add>, %mul3A_23, %reduce_sum3A [1] : vector<64x32x16xf32> to vector<64x16xf32>
    %broadcast_in_dim3A = vector.shape_cast %reduce_sum3A_24 : vector<64x16xf32> to vector<64x1x16xf32>
    %sqrt3A = math.sqrt %broadcast_in_dim3A : vector<64x1x16xf32>
    %div3A = vector.broadcast %sqrt3A : vector<64x1x16xf32> to vector<64x32x16xf32>
    %div3A_25 = arith.divf %reshape3A, %div3A : vector<64x32x16xf32>
    %swap3A = arith.constant 0 : index
    %swap3A_26 = arith.constant 0 : index
    %swap3A_27 = arith.constant 0 : index
    %swap3A_28 = arith.constant 0 : index
    %swap3A_29 = vector.load %arg3[%swap3A, %swap3A_26, %swap3A_27, %swap3A_28] : memref<1x64x32x16xf32, #tpu.memory_space<vmem>>, vector<1x64x32x16xf32>
    %swap3A_30 = vector.shape_cast %swap3A_29 : vector<1x64x32x16xf32> to vector<64x32x16xf32>
    %swap3A_31 = vector.shape_cast %div3A_25 : vector<64x32x16xf32> to vector<1x64x32x16xf32>
    tpu.vector_store %arg3[%swap3A, %swap3A_26, %swap3A_27, %swap3A_28], %swap3A_31 {strides = array<i32>} : memref<1x64x32x16xf32, #tpu.memory_space<vmem>>, vector<1x64x32x16xf32>,
    return
  }
  func.func @transform_2(%arg0: i32) -> (i32, i32, i32, i32) {
    %c0_i32 = arith.constant 0 : i32
    %c0_i32_0 = arith.constant 0 : i32
    %c0_i32_1 = arith.constant 0 : i32
    %c0_i32_2 = arith.constant 0 : i32
    return %arg0, %c0_i32, %c0_i32_0, %c0_i32_1 : i32, i32, i32, i32
  }
}

</mosaic_0001>

<sc_bundles>
// kernel: kernel.6.cloned.1.call-start
scs
__scs_entry_jumppad:
0x0: {  	(pc) =	sbr.rel $0x88, $3  }
0x1: {  	(tag) =	ssettag $0x0;
	lr =	simm.s32 $0x1  }
0x2: {  	[smem:$0x3F9E] =	sst lr;
	_ =	strace $0xD0000000  }
0x3: {  	_ = 	snop  }
0x4: {  	_ = 	snop  }
0x5: {  	_ = 	snop  }
0x6: {  	_ = 	snop  }
0x7: {  	_ = 	snop  }
__scs_overlays_trampoline_lowered:
0x8: {  	[smem:$0x3FAD] =	sst s0  }
0x9: {  	[smem:$0x3FAE] =	sst s1  }
0xa: {  	[smem:$0x3FAF] =	sst s2  }
0xb: {  	[smem:$0x3FB0] =	sst s3  }
0xc: {  	[smem:$0x3FB1] =	sst s4  }
0xd: {  	[smem:$0x3FB2] =	sst s5  }
0xe: {  	[smem:$0x3FB3] =	sst s6  }
0xf: {  	[smem:$0x3FB4] =	sst s7  }
0x10: {  	[smem:$0x3FB5] =	sst s8  }
0x11: {  	[smem:$0x3FB6] =	sst s9;
	s0 =	simm.s32 @!p0 $0x0  }
0x12: {  	s1 =	sld [smem:$0x3F9C];
	s0 =	simm.s32 @p0 $0x1  }
0x13: {  	[smem:$0x3FB7] =	sst s0;
	s0 =	simm.s32 @!p1 $0x0  }
0x14: {  	s2 =	sld [smem:$0x3F9B];
	s0 =	simm.s32 @p1 $0x1  }
0x15: {  	[smem:$0x3FB8] =	sst s0;
	s0 =	simm.s32 @!p2 $0x0  }
0x16: {  	s3 =	sld [smem:$0x3FDB];
	s0 =	simm.s32 @p2 $0x1  }
0x17: {  	s4 =	simm.s32 $0x1BF5;
	[smem:$0x3FBA] =	sst s0  }
0x18: {  	s0 =	sld [smem:$0x3F9D];
	_ =	swait.ge [sflag:s4], $0x0  }
0x19: {  	s7 =	sld [smem:$0x3F9E]  }
0x1a: {  	s8 =	sadd.s32 $0xFFFFE003, lr  }
0x1b: {  	s9 =	sadd.s32 $0xFFFFFEF7, lr;
	s5 =	simm.s32 $0xFFFFFFFF;
	p2 =	slt.u32 s8, $0xFFFFF086  }
0x1c: {  	p1 =	slt.u32 s9, $0xF7A;
	s5 =	simm.s32 @!p2 $0x0  }
0x1d: {  	s5 =	simm.s32 @p1 $0x1;
	p0 =	seq.s32 s7, s2  }
0x1e: {  	s7 =	smul.u32 @!p0 $0xF7A, s2;
	p2 =	seq.s32 @!p0 s5, $0x0  }
0x1f: {  	s9 =	smul.u32 $0xF7A, s1;
	s8 =	simm.s32 @!p0 $0x1BF5;
	p2 =	por !p2, p0  }
0x20: {  	[sflag:s8] =	ssyncset.s32 @!p0 $0xFFFFF086;
	s6 =	sadd.s32 @!p0 s3, s7;
	s7 =	simm.s32 @!p0 $0x108  }
0x21: {  	s3 =	sadd.s32 s3, s9;
	s6 =	sadd.s32 @!p0 $0x88, s6;
	s7 =	simm.s32 @p2 $0x1082  }
0x22: {  	[simem:s7], [sflag:s8] =	dma.local @!p0 [hbm:s6], $0xF7A  }
0x23: {  	s9 =	sor.u32 $0xD0000000, s2;
	s6 =	simm.s32 $0x108;
	_ =	swait.ge @!p0 [sflag:s8], $0x0  }
0x24: {  	s3 =	sadd.s32 $0x88, s3;
	s6 =	simm.s32 @!p1 $0x1082;
	[sflag:s4] =	ssyncset.s32 $0xFFFFF086  }
0x25: {  	[simem:s6], [sflag:s4] =	dma.local [hbm:s3], $0xF7A  }
0x26: {  	[smem:$0x3F9E] =	sst s1;
	(tag) =	ssettag s2;
	_ =	strace s9  }
0x27: {  	s1 =	sld [smem:$0x3FAE]  }
0x28: {  	s2 =	sld [smem:$0x3FAF]  }
0x29: {  	s4 =	sld [smem:$0x3FB1]  }
0x2a: {  	p0 =	seq.s32 s5, $0x0;
	s5 =	sld [smem:$0x3FB2]  }
0x2b: {  	s6 =	sld [smem:$0x3FB3]  }
0x2c: {  	s7 =	sld [smem:$0x3FB4]  }
0x2d: {  	s3 =	simm.s32 $0x108;
	s8 =	sld [smem:$0x3FB5]  }
0x2e: {  	s3 =	simm.s32 @!p0 $0x1082;
	s9 =	sld [smem:$0x3FB6]  }
0x2f: {  	lr =	sadd.s32 s0, s3;
	s0 =	sld [smem:$0x3FAD]  }
0x30: {  	s3 =	sld [smem:$0x3FB0]  }
0x31: {  	[smem:$0x3FB9] =	sst s10  }
0x32: {  	s10 =	sld [smem:$0x3FB7];
	_ =	sdelay $0x3  }
0x33: {  	p0 =	seq.s32 s10, $0x1;
	s10 =	sld [smem:$0x3FB9];
	_ =	sdelay $0x3  }
0x34: {  	[smem:$0x3FB9] =	sst s10  }
0x35: {  	s10 =	sld [smem:$0x3FB8];
	_ =	sdelay $0x3  }
0x36: {  	p1 =	seq.s32 s10, $0x1;
	s10 =	sld [smem:$0x3FB9];
	_ =	sdelay $0x3  }
0x37: {  	[smem:$0x3FB9] =	sst s10  }
0x38: {  	s10 =	sld [smem:$0x3FBA]  }
0x39: {  	_ = 	snop;
	(pc) =	sbr.ind lr, $3  }
0x3a: {  	_ = 	snop  }
0x3b: {  	_ = 	snop  }
0x3c: {  	p2 =	seq.s32 s10, $0x1;
	s10 =	sld [smem:$0x3FB9]  }
0x3d: {  	_ =	shalt  }
0x3e: {  	_ =	shalt  }
0x3f: {  	_ =	shalt  }
0x40: {  	_ =	shalt  }
0x41: {  	_ =	shalt  }
0x42: {  	_ =	shalt  }
0x43: {  	_ =	shalt  }
0x44: {  	_ =	shalt  }
0x45: {  	_ =	shalt  }
0x46: {  	_ =	shalt  }
0x47: {  	_ =	shalt  }
0x48: {  	_ =	shalt  }
0x49: {  	_ =	shalt  }
0x4a: {  	_ =	shalt  }
0x4b: {  	_ =	shalt  }
0x4c: {  	_ =	shalt  }
0x4d: {  	_ =	shalt  }
0x4e: {  	_ =	shalt  }
0x4f: {  	_ =	shalt  }
0x50: {  	_ =	shalt  }
0x51: {  	_ =	shalt  }
0x52: {  	_ =	shalt  }
0x53: {  	_ =	shalt  }
0x54: {  	_ =	shalt  }
0x55: {  	_ =	shalt  }
0x56: {  	_ =	shalt  }
0x57: {  	_ =	shalt  }
0x58: {  	_ =	shalt  }
0x59: {  	_ =	shalt  }
0x5a: {  	_ =	shalt  }
0x5b: {  	_ =	shalt  }
0x5c: {  	_ =	shalt  }
0x5d: {  	_ =	shalt  }
0x5e: {  	_ =	shalt  }
0x5f: {  	_ =	shalt  }
0x60: {  	_ =	shalt  }
0x61: {  	_ =	shalt  }
0x62: {  	_ =	shalt  }
0x63: {  	_ =	shalt  }
0x64: {  	_ =	shalt  }
0x65: {  	_ =	shalt  }
0x66: {  	_ =	shalt  }
0x67: {  	_ =	shalt  }
0x68: {  	_ =	shalt  }
0x69: {  	_ =	shalt  }
0x6a: {  	_ =	shalt  }
0x6b: {  	_ =	shalt  }
0x6c: {  	_ =	shalt  }
0x6d: {  	_ =	shalt  }
0x6e: {  	_ =	shalt  }
0x6f: {  	_ =	shalt  }
0x70: {  	_ =	shalt  }
0x71: {  	_ =	shalt  }
0x72: {  	_ =	shalt  }
0x73: {  	_ =	shalt  }
0x74: {  	_ =	shalt  }
0x75: {  	_ =	shalt  }
0x76: {  	_ =	shalt  }
0x77: {  	_ =	shalt  }
0x78: {  	_ =	shalt  }
0x79: {  	_ =	shalt  }
0x7a: {  	_ =	shalt  }
0x7b: {  	_ =	shalt  }
0x7c: {  	_ =	shalt  }
0x7d: {  	_ =	shalt  }
0x7e: {  	_ =	shalt  }
0x7f: {  	_ =	shalt  }
0x80: {  	_ =	shalt  }
0x81: {  	_ =	shalt  }
0x82: {  	_ =	shalt  }
0x83: {  	_ =	shalt  }
0x84: {  	_ =	shalt  }
0x85: {  	_ =	shalt  }
0x86: {  	_ =	shalt  }
0x87: {  	_ =	shalt  }
.Lfunc_end0:
.L_simem_size_0:
called_computation_lowered:
.L_overlay_start_0:
0x88: {  	s2 =	sld [smem:$0x3FD9]  }
0x89: {  	s3 =	sld [smem:$0x3FFE];
	_ =	sdelay $0x1  }
0x8a: {  	s1 =	srdreg.scid  }
0x8b: {  	s0 =	sand.u32 $0x1, s1  }
0x8c: {  	s17 =	sshll.u32 s0, $0xA;
	s2 =	sadd.s32 s3, s2  }
0x8d: {  	s2 =	sadd.s32 s2, s17  }
0x8e: {  	[smem:$0x3FC5] =	sst s2  }
0x8f: {  	_ = 	snop  }
0x90: {  	s2 =	sld [smem:$0x3FD0];
	(tm) =	ssettm $0x1  }
0x91: {  	s18 =	sld [smem:$0x3FFB];
	_ =	sdelay $0x3  }
0x92: {  	_ =	strace s18  }
0x93: {  	s3 =	sld [smem:$0x3FFC];
	_ =	sdelay $0x3  }
0x94: {  	_ =	strace s3  }
0x95: {  	s3 =	sld [smem:$0x3FFD];
	_ =	sdelay $0x3  }
0x96: {  	_ =	strace s3  }
0x97: {  	_ =	strace $0x8FFFFFFF  }
0x98: {  	s19 =	sld [smem:$0x3FDB];
	_ =	sdelay $0x1  }
0x99: {  	s4 =	simm.s32 $_scs_section_size  }
0x9a: {  	s5 =	simm.s32 $_size__tile_overlayer_lowered;
	s6 =	simm.s32 $_tile_overlayer_lowered  }
0x9b: {  	s22 =	simm.s32 $0x1BFF;
	s21 =	sshll.u32 s6, $0x1;
	s3 =	sadd.s32 s4, s19  }
0x9c: {  	s7 =	simm.s32 $0x0;
	s20 =	sshll.u32 s5, $0x1;
	s5 =	sadd.s32 s21, s3  }
0x9d: {  	[timem:s7], [sflag:s22] =	dma.local [hbm:s5], s20  }
0x9e: {  	_ =	swait.ge [sflag:s22], s20  }
0x9f: {  	s4 =	ssub.s32 $0x0, s20;
	[sflag:s22] =	ssyncset.done $0x0  }
0xa0: {  	[sflag:s22] =	ssyncadd.s32 s4;
	_ =	sdelay $0x1  }
0xa1: {  	s23 =	simm.s32 $0x1B8B  }
0xa2: {  	_ =	swait.ge [sflag:s23], $0x1  }
0xa3: {  	[sflag:s23] =	ssyncset.done $0x0  }
0xa4: {  	s25 =	simm.s32 $0x1B8E;
	s24 =	sld [smem:$0x3FFE];
	[sflag:s23] =	ssyncadd.s32 $0xFFFFFFFF  }
0xa5: {  	s26 =	simm.s32 $execute0_lowered;
	[smem:$0x3FD2] =	sst s25  }
0xa6: {  	s5 =	sshll.u32 s26, $0x1;
	_ =	strace $0x80000046;
	[dreg:$0x1] =	wrdreg $0xFFFFFFFF  }
0xa7: {  	s28 =	simm.s32 $_size_execute0_lowered;
	s3 =	sadd.s32 s3, s5;
	[dreg:$0x0] =	wrdreg $0x0  }
0xa8: {  	s5 =	sshll.u32 s28, $0x1;
	[dreg:$0x2] =	wrdreg s3  }
0xa9: {  	[dreg:$0x3] =	wrdreg s5  }
0xaa: {  	[dreg:$0x4] =	wrdreg $0xC0  }
0xab: {  	_ =	task [dreg:s7], $0x5FFFF  }
0xac: {  	[dreg:$0x1] =	wrdreg $0xFFFFFFFF  }
0xad: {  	[dreg:$0x0] =	wrdreg $0x60  }
0xae: {  	[dreg:$0x2] =	wrdreg s2  }
0xaf: {  	[dreg:$0x3] =	wrdreg s24  }
0xb0: {  	[dreg:$0x4] =	wrdreg $0x9  }
0xb1: {  	_ =	task.clear_ibuf [dreg:s7], $0x5FFFF;
	_ =	strace $0x90000046  }
0xb2: {  	s29 =	simm.s32 $0x9;
	_ =	strace $0x80000048  }
0xb3: {  	_ =	swait.ge [sflag:s29], $0x1  }
0xb4: {  	[sflag:s29] =	ssyncadd.s32 $0xFFFFFFFF  }
0xb5: {  	_ =	strace $0x90000048  }
0xb6: {  	_ =	sfence  }
0xb7: {  	s30 =	sld [smem:$0x0];
	_ =	sdelay $0x2  }
0xb8: {  	s31 =	sshll.u32 s1, $0xD;
	s1 =	sshrl.u32 s1, $0x2  }
0xb9: {  	s3 =	sand.u32 $0x4000, s31;
	s1 =	sadd.s32 s1, s30  }
0xba: {  	s0 =	sor.u32 s3, s0;
	s1 =	sshll.u32 s1, $0x11  }
0xbb: {  	s0 =	sor.u32 s1, s0  }
0xbc: {  	s0 =	sadd.s32 $0x8F2B, s0  }
0xbd: {  	[sflag:s0] =	ssyncadd.remote.s32 $0x1  }
0xbe: {  	_ =	sfence.sel $0xFFFF  }
0xbf: {  	[dreg:$0x0] =	wrdreg $0xFFFFFFFF;
	(pc) =	sbr.abs _section_cstart, $3  }
0xc0: {  	[dreg:$0x1] =	wrdreg $0xFFFFFFFF  }
0xc1: {  	_ =	task.clear_ibuf [dreg:s7], $0x2FFFF;
	_ =	strace $0x9FFFFFFF  }
0xc2: {  	(tm) =	ssettm $0x7FFFFFFF  }
0xc3: {  	_ =	shalt  }
tec
execute0_lowered:
.L_overlay_start_1:
0x0: {  	(tag) =	ssettag $0x1  }
0x1: {  	s1 =	srdreg.scid;
	s2 =	rddreg [dreg:$0x0]  }
0x2: {  	s0 =	stileid.u32;
	s7 =	rddreg [dreg:$0x1]  }
0x3: {  	s3 =	simm.s32 $0x0;
	s4 =	simm.s32 $0x1;
	s14 =	simm.s32 $0x8  }
0x4: {  	s15 =	simm.s32 $0x11808;
	s16 =	simm.s32 $0x800;
	s17 =	simm.s32 $0x1800  }
0x5: {  	s18 =	simm.s32 $0x1000;
	s10 =	sand.u32 $0x1, s1;
	s28 =	sshll.u32 s0, $0x1  }
0x6: {  	s19 =	simm.s32 $0x0;
	s1 =	rddreg [dreg:$0x2];
	s6 =	sor.u32 s10, s28  }
0x7: {  	[smem:$0x7FF] =	sst s3;
	p1 =	seq.s32 s10, $0x1;
	p0 =	seq.s32 s6, $0x0  }
0x8: {  	s5 =	sadd.s32 $0x1600, s7;
	_ =	strace $0x80000047;
	p0 =	por !p0, !p1  }
0x9: {  	s8 =	sadd.s32 s10, s7;
	s12 =	ssub.s32 $0x2, s10;
	p0 =	por !p0, !p0  }
0xa: {  	s10 =	sshll.u32 s10, $0xD;
	s6 =	sshll.u32 s6, $0x5;
	s4 =	simm.s32 @!p0 $0x0  }
0xb: {  	s29 =	sshrl.u32 s12, $0x1;
	s13 =	sadd.s32 s6, s7;
	s9 =	ssub.s32 s0, s4  }
0xc: {  	v0 =	vlaneseq.u32;
	s31 =	ssub.s32 s12, s29;
	s12 =	simm.s32 $0x11800;
	s11 =	sshll.u32 s9, $0x1  }
0xd: {  	v0 =	vmul.u32 $0x80, v0;
	s6 =	simm.s32 $0x1;
	s4 =	sadd.s32 $0x187A00, s7;
	s11 =	sand.u32 $0x1FFFFFFE, s11  }
0xe: {  	s9 =	sshll.u32 s9, $0xE;
	s30 =	sadd.s32 s11, s8;
	s8 =	sadd.s32 $0x1200, s13  }
0xf: {  	v1 =	vor.u32 $0x800, v0;
	s11 =	smax.u32 s31, $0x1;
	s13 =	simm.s32 $0x2;
	s7 =	sadd.s32 $0x1000, s30  }
.LBB2_1:
0x10: {  	[tilespmem:s12], [sflag:$0x2] =	stream.linear.gather [hbm4b:s7+s3], $0x8, $0x38;
	[tilespmem:$0x11908] =	vst v63  }
0x11: {  	_ =	swait.ge [sflag:s13], $0x8  }
0x12: {  	[sflag:s13] =	ssyncset.done $0x0  }
0x13: {  	[sflag:s13] =	ssyncadd.s32 $0xFFFFFFF8  }
0x14: {  	[tilespmem:s15], [sflag:$0x1] =	stream.indirect.gather [hbm4b:s4+s14], $0x20, s12, s14, $0xb8;
	[tilespmem:$0x11908] =	vst v63  }
0x15: {  	_ =	swait.ge [sflag:s6], $0x100  }
0x16: {  	[sflag:s6] =	ssyncset.done $0x0  }
0x17: {  	[sflag:s6] =	ssyncadd.s32 $0xFFFFFF00  }
0x18: {  	[hbm4b:s8+s3] =	stream.linear.scatter [tilespmem:s15], [sflag:$0x2], $0x100, $0x38;
	[tilespmem:$0x11908] =	vst v63  }
0x19: {  	_ =	swait.ge [sflag:s13], $0x100  }
0x1a: {  	p0 =	por $0x0, $0x0;
	[sflag:s13] =	ssyncset.done $0x0  }
0x1b: {  	s20 =	smov.u32 s10;
	s21 =	simm.s32 $0x0;
	[sflag:s13] =	ssyncadd.s32 $0xFFFFFF00  }
.LBB2_2:
0x1c: {  	s22 =	sshll.u32 s21, $0xB  }
0x1d: {  	s22 =	sadd.s32 s10, s22  }
0x1e: {  	s22 =	sor.u32 s9, s22  }
0x1f: {  	s22 =	sshrl.u32 s22, $0x3  }
0x20: {  	s23 =	simm.s32 $0x0;
	s22 =	sadd.s32 s2, s22  }
0x21: {  	[tilespmem:s23], [sflag:$0x2] =	stream.linear.gather [hbm4b:s22+s23], $0x800, $0x38;
	[tilespmem:$0x11908] =	vst v63  }
0x22: {  	_ =	swait.ge [sflag:s13], $0x800  }
0x23: {  	s31 =	sand.u32 $0xFFFFF000, s20;
	s23 =	simm.s32 $0x1;
	[sflag:s13] =	ssyncset.done $0x0  }
0x24: {  	s22 =	simm.s32 $0x0;
	s23 =	simm.s32 @!p0 $0x0;
	[sflag:s13] =	ssyncadd.s32 $0xFFFFF800  }
0x25: {  	s24 =	sadd.s32 s31, s9;
	s23 =	sshll.u32 s23, $0x6;
	v2 =	vld [tilespmem:s22+$0x10]  }
0x26: {  	s24 =	sadd.s32 s23, s24;
	v3 =	vld [tilespmem:s22+$0x0]  }
0x27: {  	v4 =	vor.u32 s24, v0  }
0x28: {  	[tilespmem:s22+$0x1000] =	vst v4;
	v4 =	vor.u32 s24, v1  }
0x29: {  	s23 =	simm.s32 $0x80;
	s24 =	sadd.s32 $0x1, s24;
	[tilespmem:s22+$0x1010] =	vst v4  }
.LBB2_3:
0x2a: {  	s25 =	sshra.s32 s23, $0x2;
	p1 =	sne.s32 s23, $0x1F80;
	s23 =	sadd.s32 $0x80, s23;
	[tilespmem:s22+$0x810] =	vst v2  }
.Ltmp0:
0x2b: {  	v4 =	vor.u32 s24, v0;
	v2 =	vld [tilespmem:s25+$0x10];
	[tilespmem:s22+$0x800] =	vst v3;
	s22 =	smov.u32 s25;
	(pc) =	sbr.rel @p1 .LBB2_3-.Ltmp0, $3  }
0x2c: {  	v3 =	vld [tilespmem:s22+$0x0];
	[tilespmem:s22+$0x1000] =	vst v4;
	v4 =	vor.u32 s24, v1  }
0x2d: {  	[tilespmem:s22+$0x1010] =	vst v4;
	_ =	sdelay $0x1  }
0x2e: {  	s24 =	sadd.s32 $0x1, s24  }
0x2f: {  	[tilespmem:s22+$0x810] =	vst v2  }
0x30: {  	[tilespmem:s22+$0x800] =	vst v3  }
0x31: {  	[tilespmem:s17], [sflag:$0x1] =	stream.indirect.gather [hbm4b:s4+s16], $0x20, s16, s16, $0xb8;
	[tilespmem:$0x11908] =	vst v63  }
0x32: {  	s21 =	sadd.s32 $0x1, s21;
	_ =	swait.ge [sflag:s6], $0x10000  }
0x33: {  	p1 =	sne.s32 s21, $0x4;
	[sflag:s6] =	ssyncset.done $0x0  }
.Ltmp1:
0x34: {  	[sflag:s6] =	ssyncadd.s32 $0xFFFF0000;
	(pc) =	sbr.rel @p1 .LBB2_2-.Ltmp1, $4  }
0x35: {  	[hbm4b:s5+s16] =	stream.indirect.scatter [tilespmem:s17], [sflag:$0x1], $0x20, s18, s16, $0xb8;
	[tilespmem:$0x11908] =	vst v63  }
0x36: {  	_ =	swait.ge [sflag:s6], $0x10000  }
0x37: {  	[sflag:s6] =	ssyncset.done $0x0  }
0x38: {  	s20 =	sadd.s32 $0x800, s20;
	p0 =	por !p0, !p0;
	[sflag:s6] =	ssyncadd.s32 $0xFFFF0000  }
0x39: {  	s19 =	sadd.s32 $0x1, s19  }
0x3a: {  	p0 =	sne.s32 s19, s11  }
.Ltmp2:
0x3b: {  	_ = 	snop;
	(pc) =	sbr.rel @p0 .LBB2_1-.Ltmp2, $1  }
0x3c: {  	_ =	sdelay $0x3  }
0x3d: {  	_ =	sfence.sel $0x180000  }
0x3e: {  	[bflag:$0x0] =	sbarrier.arrive $0xFFFF  }
0x3f: {  	p0 =	sne.s32 s0, $0x0;
	_ =	strace $0x90000047  }
0x40: {  	s0 =	sadd.s32 @!p0 $0x100000, s1;
	[bflag:$0x2] =	sbarrier.arrive $0xFFFF  }
0x41: {  	[sflag:s0] =	ssyncadd.tile.s32 @!p0 $0x1;
	_ =	shalt  }
.Lfunc_end2:
_tile_overlayer_lowered:
.L_overlay_start_2:
0x42: {  	(tag) =	ssettag $0x2  }
0x43: {  	s0 =	rddreg [dreg:$0x0];
	s2 =	stileid.u32  }
0x44: {  	s1 =	rddreg [dreg:$0x1];
	p0 =	sne.s32 s2, $0x0  }
0x45: {  	s3 =	rddreg [dreg:$0x2];
	[bflag:$0x3] =	sbarrier.arrive $0xFFFF;
	s2 =	simm.s32 @!p0 $0x1C02  }
0x46: {  	[timem:s3], [sflag:s2] =	dma.local @!p0 [hbm:s0], s1  }
0x47: {  	s0 =	simm.s32 @!p0 $0x2  }
0x48: {  	_ =	swait.ge @!p0 [sflag:s0], s1  }
0x49: {  	s1 =	ssub.s32 @!p0 $0x0, s1;
	[sflag:s0] =	ssyncset.done @!p0 $0x0  }
0x4a: {  	[sflag:s0] =	ssyncadd.s32 @!p0 s1  }
0x4b: {  	[bflag:$0x3] =	sbarrier.arrive $0xFFFF  }
0x4c: {  	_ =	shalt  }

// kernel: kernel.9.cloned.1.call-start
scs
__scs_entry_jumppad:
0x0: {  	(pc) =	sbr.rel $0x88, $3  }
0x1: {  	(tag) =	ssettag $0x0;
	lr =	simm.s32 $0x1  }
0x2: {  	[smem:$0x3F9E] =	sst lr;
	_ =	strace $0xD0000000  }
0x3: {  	_ = 	snop  }
0x4: {  	_ = 	snop  }
0x5: {  	_ = 	snop  }
0x6: {  	_ = 	snop  }
0x7: {  	_ = 	snop  }
__scs_overlays_trampoline_lowered:
0x8: {  	[smem:$0x3FAD] =	sst s0  }
0x9: {  	[smem:$0x3FAE] =	sst s1  }
0xa: {  	[smem:$0x3FAF] =	sst s2  }
0xb: {  	[smem:$0x3FB0] =	sst s3  }
0xc: {  	[smem:$0x3FB1] =	sst s4  }
0xd: {  	[smem:$0x3FB2] =	sst s5  }
0xe: {  	[smem:$0x3FB3] =	sst s6  }
0xf: {  	[smem:$0x3FB4] =	sst s7  }
0x10: {  	[smem:$0x3FB5] =	sst s8  }
0x11: {  	[smem:$0x3FB6] =	sst s9;
	s0 =	simm.s32 @!p0 $0x0  }
0x12: {  	s1 =	sld [smem:$0x3F9C];
	s0 =	simm.s32 @p0 $0x1  }
0x13: {  	[smem:$0x3FB7] =	sst s0;
	s0 =	simm.s32 @!p1 $0x0  }
0x14: {  	s2 =	sld [smem:$0x3F9B];
	s0 =	simm.s32 @p1 $0x1  }
0x15: {  	[smem:$0x3FB8] =	sst s0;
	s0 =	simm.s32 @!p2 $0x0  }
0x16: {  	s3 =	sld [smem:$0x3FDB];
	s0 =	simm.s32 @p2 $0x1  }
0x17: {  	s4 =	simm.s32 $0x1BF5;
	[smem:$0x3FBA] =	sst s0  }
0x18: {  	s0 =	sld [smem:$0x3F9D];
	_ =	swait.ge [sflag:s4], $0x0  }
0x19: {  	s7 =	sld [smem:$0x3F9E]  }
0x1a: {  	s8 =	sadd.s32 $0xFFFFE003, lr  }
0x1b: {  	s9 =	sadd.s32 $0xFFFFFEF7, lr;
	s5 =	simm.s32 $0xFFFFFFFF;
	p2 =	slt.u32 s8, $0xFFFFF086  }
0x1c: {  	p1 =	slt.u32 s9, $0xF7A;
	s5 =	simm.s32 @!p2 $0x0  }
0x1d: {  	s5 =	simm.s32 @p1 $0x1;
	p0 =	seq.s32 s7, s2  }
0x1e: {  	s7 =	smul.u32 @!p0 $0xF7A, s2;
	p2 =	seq.s32 @!p0 s5, $0x0  }
0x1f: {  	s9 =	smul.u32 $0xF7A, s1;
	s8 =	simm.s32 @!p0 $0x1BF5;
	p2 =	por !p2, p0  }
0x20: {  	[sflag:s8] =	ssyncset.s32 @!p0 $0xFFFFF086;
	s6 =	sadd.s32 @!p0 s3, s7;
	s7 =	simm.s32 @!p0 $0x108  }
0x21: {  	s3 =	sadd.s32 s3, s9;
	s6 =	sadd.s32 @!p0 $0x88, s6;
	s7 =	simm.s32 @p2 $0x1082  }
0x22: {  	[simem:s7], [sflag:s8] =	dma.local @!p0 [hbm:s6], $0xF7A  }
0x23: {  	s9 =	sor.u32 $0xD0000000, s2;
	s6 =	simm.s32 $0x108;
	_ =	swait.ge @!p0 [sflag:s8], $0x0  }
0x24: {  	s3 =	sadd.s32 $0x88, s3;
	s6 =	simm.s32 @!p1 $0x1082;
	[sflag:s4] =	ssyncset.s32 $0xFFFFF086  }
0x25: {  	[simem:s6], [sflag:s4] =	dma.local [hbm:s3], $0xF7A  }
0x26: {  	[smem:$0x3F9E] =	sst s1;
	(tag) =	ssettag s2;
	_ =	strace s9  }
0x27: {  	s1 =	sld [smem:$0x3FAE]  }
0x28: {  	s2 =	sld [smem:$0x3FAF]  }
0x29: {  	s4 =	sld [smem:$0x3FB1]  }
0x2a: {  	p0 =	seq.s32 s5, $0x0;
	s5 =	sld [smem:$0x3FB2]  }
0x2b: {  	s6 =	sld [smem:$0x3FB3]  }
0x2c: {  	s7 =	sld [smem:$0x3FB4]  }
0x2d: {  	s3 =	simm.s32 $0x108;
	s8 =	sld [smem:$0x3FB5]  }
0x2e: {  	s3 =	simm.s32 @!p0 $0x1082;
	s9 =	sld [smem:$0x3FB6]  }
0x2f: {  	lr =	sadd.s32 s0, s3;
	s0 =	sld [smem:$0x3FAD]  }
0x30: {  	s3 =	sld [smem:$0x3FB0]  }
0x31: {  	[smem:$0x3FB9] =	sst s10  }
0x32: {  	s10 =	sld [smem:$0x3FB7];
	_ =	sdelay $0x3  }
0x33: {  	p0 =	seq.s32 s10, $0x1;
	s10 =	sld [smem:$0x3FB9];
	_ =	sdelay $0x3  }
0x34: {  	[smem:$0x3FB9] =	sst s10  }
0x35: {  	s10 =	sld [smem:$0x3FB8];
	_ =	sdelay $0x3  }
0x36: {  	p1 =	seq.s32 s10, $0x1;
	s10 =	sld [smem:$0x3FB9];
	_ =	sdelay $0x3  }
0x37: {  	[smem:$0x3FB9] =	sst s10  }
0x38: {  	s10 =	sld [smem:$0x3FBA]  }
0x39: {  	_ = 	snop;
	(pc) =	sbr.ind lr, $3  }
0x3a: {  	_ = 	snop  }
0x3b: {  	_ = 	snop  }
0x3c: {  	p2 =	seq.s32 s10, $0x1;
	s10 =	sld [smem:$0x3FB9]  }
0x3d: {  	_ =	shalt  }
0x3e: {  	_ =	shalt  }
0x3f: {  	_ =	shalt  }
0x40: {  	_ =	shalt  }
0x41: {  	_ =	shalt  }
0x42: {  	_ =	shalt  }
0x43: {  	_ =	shalt  }
0x44: {  	_ =	shalt  }
0x45: {  	_ =	shalt  }
0x46: {  	_ =	shalt  }
0x47: {  	_ =	shalt  }
0x48: {  	_ =	shalt  }
0x49: {  	_ =	shalt  }
0x4a: {  	_ =	shalt  }
0x4b: {  	_ =	shalt  }
0x4c: {  	_ =	shalt  }
0x4d: {  	_ =	shalt  }
0x4e: {  	_ =	shalt  }
0x4f: {  	_ =	shalt  }
0x50: {  	_ =	shalt  }
0x51: {  	_ =	shalt  }
0x52: {  	_ =	shalt  }
0x53: {  	_ =	shalt  }
0x54: {  	_ =	shalt  }
0x55: {  	_ =	shalt  }
0x56: {  	_ =	shalt  }
0x57: {  	_ =	shalt  }
0x58: {  	_ =	shalt  }
0x59: {  	_ =	shalt  }
0x5a: {  	_ =	shalt  }
0x5b: {  	_ =	shalt  }
0x5c: {  	_ =	shalt  }
0x5d: {  	_ =	shalt  }
0x5e: {  	_ =	shalt  }
0x5f: {  	_ =	shalt  }
0x60: {  	_ =	shalt  }
0x61: {  	_ =	shalt  }
0x62: {  	_ =	shalt  }
0x63: {  	_ =	shalt  }
0x64: {  	_ =	shalt  }
0x65: {  	_ =	shalt  }
0x66: {  	_ =	shalt  }
0x67: {  	_ =	shalt  }
0x68: {  	_ =	shalt  }
0x69: {  	_ =	shalt  }
0x6a: {  	_ =	shalt  }
0x6b: {  	_ =	shalt  }
0x6c: {  	_ =	shalt  }
0x6d: {  	_ =	shalt  }
0x6e: {  	_ =	shalt  }
0x6f: {  	_ =	shalt  }
0x70: {  	_ =	shalt  }
0x71: {  	_ =	shalt  }
0x72: {  	_ =	shalt  }
0x73: {  	_ =	shalt  }
0x74: {  	_ =	shalt  }
0x75: {  	_ =	shalt  }
0x76: {  	_ =	shalt  }
0x77: {  	_ =	shalt  }
0x78: {  	_ =	shalt  }
0x79: {  	_ =	shalt  }
0x7a: {  	_ =	shalt  }
0x7b: {  	_ =	shalt  }
0x7c: {  	_ =	shalt  }
0x7d: {  	_ =	shalt  }
0x7e: {  	_ =	shalt  }
0x7f: {  	_ =	shalt  }
0x80: {  	_ =	shalt  }
0x81: {  	_ =	shalt  }
0x82: {  	_ =	shalt  }
0x83: {  	_ =	shalt  }
0x84: {  	_ =	shalt  }
0x85: {  	_ =	shalt  }
0x86: {  	_ =	shalt  }
0x87: {  	_ =	shalt  }
.Lfunc_end0:
.L_simem_size_0:
called_computation.1_lowered:
.L_overlay_start_0:
0x88: {  	s2 =	sld [smem:$0x3FD9]  }
0x89: {  	s3 =	sld [smem:$0x3FFE];
	_ =	sdelay $0x1  }
0x8a: {  	s1 =	srdreg.scid  }
0x8b: {  	s0 =	sand.u32 $0x1, s1  }
0x8c: {  	s17 =	sshll.u32 s0, $0xA;
	s2 =	sadd.s32 s3, s2  }
0x8d: {  	s2 =	sadd.s32 s2, s17  }
0x8e: {  	[smem:$0x3FC5] =	sst s2  }
0x8f: {  	_ = 	snop  }
0x90: {  	s2 =	sld [smem:$0x3FD0];
	(tm) =	ssettm $0x1  }
0x91: {  	s18 =	sld [smem:$0x3FFB];
	_ =	sdelay $0x3  }
0x92: {  	_ =	strace s18  }
0x93: {  	s3 =	sld [smem:$0x3FFC];
	_ =	sdelay $0x3  }
0x94: {  	_ =	strace s3  }
0x95: {  	s3 =	sld [smem:$0x3FFD];
	_ =	sdelay $0x3  }
0x96: {  	_ =	strace s3  }
0x97: {  	_ =	strace $0x8FFFFFFF  }
0x98: {  	s19 =	sld [smem:$0x3FDB];
	_ =	sdelay $0x1  }
0x99: {  	s4 =	simm.s32 $_scs_section_size  }
0x9a: {  	s5 =	simm.s32 $_size__tile_overlayer_lowered;
	s6 =	simm.s32 $_tile_overlayer_lowered  }
0x9b: {  	s22 =	simm.s32 $0x1BFF;
	s21 =	sshll.u32 s6, $0x1;
	s3 =	sadd.s32 s4, s19  }
0x9c: {  	s7 =	simm.s32 $0x0;
	s20 =	sshll.u32 s5, $0x1;
	s5 =	sadd.s32 s21, s3  }
0x9d: {  	[timem:s7], [sflag:s22] =	dma.local [hbm:s5], s20  }
0x9e: {  	_ =	swait.ge [sflag:s22], s20  }
0x9f: {  	s4 =	ssub.s32 $0x0, s20;
	[sflag:s22] =	ssyncset.done $0x0  }
0xa0: {  	[sflag:s22] =	ssyncadd.s32 s4;
	_ =	sdelay $0x1  }
0xa1: {  	s23 =	simm.s32 $0x1B8B  }
0xa2: {  	_ =	swait.ge [sflag:s23], $0x1  }
0xa3: {  	[sflag:s23] =	ssyncset.done $0x0  }
0xa4: {  	s25 =	simm.s32 $0x1B8E;
	s24 =	sld [smem:$0x3FFE];
	[sflag:s23] =	ssyncadd.s32 $0xFFFFFFFF  }
0xa5: {  	s26 =	simm.s32 $execute0_lowered;
	[smem:$0x3FD2] =	sst s25  }
0xa6: {  	s5 =	sshll.u32 s26, $0x1;
	_ =	strace $0x80000049;
	[dreg:$0x1] =	wrdreg $0xFFFFFFFF  }
0xa7: {  	s28 =	simm.s32 $_size_execute0_lowered;
	s3 =	sadd.s32 s3, s5;
	[dreg:$0x0] =	wrdreg $0x0  }
0xa8: {  	s5 =	sshll.u32 s28, $0x1;
	[dreg:$0x2] =	wrdreg s3  }
0xa9: {  	[dreg:$0x3] =	wrdreg s5  }
0xaa: {  	[dreg:$0x4] =	wrdreg $0xC0  }
0xab: {  	_ =	task [dreg:s7], $0x5FFFF  }
0xac: {  	[dreg:$0x1] =	wrdreg $0xFFFFFFFF  }
0xad: {  	[dreg:$0x0] =	wrdreg $0x60  }
0xae: {  	[dreg:$0x2] =	wrdreg s24  }
0xaf: {  	[dreg:$0x3] =	wrdreg s2  }
0xb0: {  	[dreg:$0x4] =	wrdreg $0x9  }
0xb1: {  	_ =	task.clear_ibuf [dreg:s7], $0x5FFFF;
	_ =	strace $0x90000049  }
0xb2: {  	s29 =	simm.s32 $0x9;
	_ =	strace $0x8000004B  }
0xb3: {  	_ =	swait.ge [sflag:s29], $0x1  }
0xb4: {  	[sflag:s29] =	ssyncadd.s32 $0xFFFFFFFF  }
0xb5: {  	_ =	strace $0x9000004B  }
0xb6: {  	_ =	sfence  }
0xb7: {  	s30 =	sld [smem:$0x0];
	_ =	sdelay $0x2  }
0xb8: {  	s31 =	sshll.u32 s1, $0xD;
	s1 =	sshrl.u32 s1, $0x2  }
0xb9: {  	s3 =	sand.u32 $0x4000, s31;
	s1 =	sadd.s32 s1, s30  }
0xba: {  	s0 =	sor.u32 s3, s0;
	s1 =	sshll.u32 s1, $0x11  }
0xbb: {  	s0 =	sor.u32 s1, s0  }
0xbc: {  	s0 =	sadd.s32 $0x8F2B, s0  }
0xbd: {  	[sflag:s0] =	ssyncadd.remote.s32 $0x1  }
0xbe: {  	_ =	sfence.sel $0xFFFF  }
0xbf: {  	[dreg:$0x0] =	wrdreg $0xFFFFFFFF;
	(pc) =	sbr.abs _section_cstart, $3  }
0xc0: {  	[dreg:$0x1] =	wrdreg $0xFFFFFFFF  }
0xc1: {  	_ =	task.clear_ibuf [dreg:s7], $0x2FFFF;
	_ =	strace $0x9FFFFFFF  }
0xc2: {  	(tm) =	ssettm $0x7FFFFFFF  }
0xc3: {  	_ =	shalt  }
tec
execute0_lowered:
.L_overlay_start_1:
0x0: {  	(tag) =	ssettag $0x1  }
0x1: {  	s1 =	srdreg.scid  }
0x2: {  	s0 =	stileid.u32;
	s6 =	sand.u32 $0x1, s1  }
0x3: {  	s5 =	rddreg [dreg:$0x0];
	s30 =	sshll.u32 s0, $0xB;
	s2 =	sshll.u32 s6, $0xA  }
0x4: {  	s8 =	rddreg [dreg:$0x1];
	s9 =	sor.u32 s2, s30  }
0x5: {  	s1 =	rddreg [dreg:$0x2];
	s2 =	simm.s32 $0x0;
	s3 =	sshrl.u32 s9, $0x3  }
0x6: {  	s10 =	ssub.s32 $0x2, s6;
	[smem:$0x7FF] =	sst s2;
	s3 =	sadd.s32 s3, s5  }
0x7: {  	_ =	strace $0x8000004A;
	s4 =	sadd.s32 $0x101600, s3;
	s3 =	simm.s32 $0x2  }
0x8: {  	[tilespmem:s2], [sflag:$0x2] =	stream.linear.gather [hbm4b:s4+s2], $0x400, $0x38;
	[tilespmem:$0x8400] =	vst v63  }
0x9: {  	s7 =	simm.s32 $0x1;
	s11 =	sshrl.u32 s10, $0x1;
	_ =	swait.ge [sflag:s3], $0x400  }
0xa: {  	s6 =	simm.s32 $0x400;
	s10 =	ssub.s32 s10, s11;
	[sflag:s3] =	ssyncset.done $0x0  }
0xb: {  	s5 =	sadd.s32 $0x1600, s5;
	s31 =	smax.u32 s10, $0x1;
	[sflag:s3] =	ssyncadd.s32 $0xFFFFFC00  }
0xc: {  	[tilespmem:s6], [sflag:$0x1] =	stream.indirect.gather [hbm4b:s5+s6], $0x20, s2, s6, $0xb8;
	[tilespmem:$0x8400] =	vst v63  }
0xd: {  	p0 =	sne.s32 s31, $0x1;
	_ =	swait.ge [sflag:s7], $0x8000  }
.Ltmp0:
0xe: {  	s9 =	sshll.u32 s9, $0x2;
	[sflag:s7] =	ssyncset.done $0x0;
	(pc) =	sbr.rel @!p0 .LBB2_2-.Ltmp0, $4  }
0xf: {  	s8 =	sadd.s32 s8, s9;
	[sflag:s7] =	ssyncadd.s32 $0xFFFF8000  }
0x10: {  	[hbm4b:s8+s2] =	stream.linear.scatter [tilespmem:s6], [sflag:$0x2], $0x8000, $0x38;
	[tilespmem:$0x8400] =	vst v63  }
0x11: {  	_ =	swait.ge [sflag:s3], $0x8000  }
0x12: {  	s9 =	sadd.s32 $0xFFFFFFFF, s31;
	[sflag:s3] =	ssyncset.done $0x0  }
.LBB2_1:
0x13: {  	p0 =	sne.s32 s9, $0x1;
	s9 =	sadd.s32 $0xFFFFFFFF, s9;
	[sflag:s3] =	ssyncadd.s32 $0xFFFF8000  }
0x14: {  	[tilespmem:s2], [sflag:$0x2] =	stream.linear.gather [hbm4b:s4+s2], $0x400, $0x38;
	[tilespmem:$0x8400] =	vst v63  }
0x15: {  	_ =	swait.ge [sflag:s3], $0x400  }
0x16: {  	[sflag:s3] =	ssyncset.done $0x0  }
0x17: {  	[sflag:s3] =	ssyncadd.s32 $0xFFFFFC00  }
0x18: {  	[tilespmem:s6], [sflag:$0x1] =	stream.indirect.gather [hbm4b:s5+s6], $0x20, s2, s6, $0xb8;
	[tilespmem:$0x8400] =	vst v63  }
0x19: {  	_ =	swait.ge [sflag:s7], $0x8000  }
.Ltmp1:
0x1a: {  	[sflag:s7] =	ssyncset.done $0x0;
	(pc) =	sbr.rel @p0 .LBB2_1-.Ltmp1, $4  }
0x1b: {  	[sflag:s7] =	ssyncadd.s32 $0xFFFF8000  }
0x1c: {  	[hbm4b:s8+s2] =	stream.linear.scatter [tilespmem:s6], [sflag:$0x2], $0x8000, $0x38;
	[tilespmem:$0x8400] =	vst v63  }
0x1d: {  	_ =	swait.ge [sflag:s3], $0x8000  }
0x1e: {  	[sflag:s3] =	ssyncset.done $0x0  }
.LBB2_2:
0x1f: {  	[sflag:s3] =	ssyncadd.s32 $0xFFFF8000  }
0x20: {  	_ =	sfence.sel $0x180000  }
0x21: {  	[bflag:$0x0] =	sbarrier.arrive $0xFFFF  }
0x22: {  	p0 =	sne.s32 s0, $0x0;
	_ =	strace $0x9000004A  }
0x23: {  	s0 =	sadd.s32 @!p0 $0x100000, s1;
	[bflag:$0x2] =	sbarrier.arrive $0xFFFF  }
0x24: {  	[sflag:s0] =	ssyncadd.tile.s32 @!p0 $0x1;
	_ =	shalt  }
.Lfunc_end2:
_tile_overlayer_lowered:
.L_overlay_start_2:
0x25: {  	(tag) =	ssettag $0x2  }
0x26: {  	s0 =	rddreg [dreg:$0x0];
	s2 =	stileid.u32  }
0x27: {  	s1 =	rddreg [dreg:$0x1];
	p0 =	sne.s32 s2, $0x0  }
0x28: {  	s3 =	rddreg [dreg:$0x2];
	[bflag:$0x3] =	sbarrier.arrive $0xFFFF;
	s2 =	simm.s32 @!p0 $0x1C02  }
0x29: {  	[timem:s3], [sflag:s2] =	dma.local @!p0 [hbm:s0], s1  }
0x2a: {  	s0 =	simm.s32 @!p0 $0x2  }
0x2b: {  	_ =	swait.ge @!p0 [sflag:s0], s1  }
0x2c: {  	s1 =	ssub.s32 @!p0 $0x0, s1;
	[sflag:s0] =	ssyncset.done @!p0 $0x0  }
0x2d: {  	[sflag:s0] =	ssyncadd.s32 @!p0 s1  }
0x2e: {  	[bflag:$0x3] =	sbarrier.arrive $0xFFFF  }
0x2f: {  	_ =	shalt  }

</sc_bundles>
